<compile_context>
chip_gen: v7x
topology: tpu7x:2x2x1
jax: 0.10.2.dev20260603
libtpu: 0.0.44.dev20260713+nightly
codegen_flags: <defaults>
</compile_context>

<pallas_src>
import jax
import jax.numpy as jnp
from jax import lax
from jax.experimental import pallas as pl
from jax.experimental.pallas import tpu as pltpu
from jax.experimental.pallas import tpu_sc as plsc

N_NODES = 10000
N_EDGES = 320000
D_FEAT = 128
D_HID = 32

NC = 2
NS = 16
NW = NC * NS
L = 16


_E_PER_TILE = N_EDGES // NW
_G_DEG = _E_PER_TILE // L
_ZN = N_NODES // L


def _sc_degree_body(ei_hbm, ew_hbm, degp_hbm, eip_hbm,
                    src_v, dst_v, ew_v, deg_v, pk_v):
    wid = lax.axis_index("s") * NC + lax.axis_index("c")
    base = wid * _E_PER_TILE
    pltpu.sync_copy(ei_hbm.at[pl.ds(base, _E_PER_TILE)], src_v)
    pltpu.sync_copy(ei_hbm.at[pl.ds(N_EDGES + base, _E_PER_TILE)], dst_v)
    pltpu.sync_copy(ew_hbm.at[pl.ds(base, _E_PER_TILE)], ew_v)

    @plsc.parallel_loop(0, _ZN, unroll=8)
    def _zero(i):
        deg_v[pl.ds(i * L, L)] = jnp.zeros((L,), jnp.float32)

    @plsc.parallel_loop(0, _G_DEG, unroll=4)
    def _group(g):
        s = pl.ds(g * L, L)
        vd = dst_v[s]
        plsc.addupdate_scatter(deg_v, [vd], ew_v[s])
        pk_v[s] = jnp.bitwise_or(lax.shift_left(src_v[s], 14), vd)

    pltpu.sync_copy(deg_v, degp_hbm.at[wid])
    pltpu.sync_copy(pk_v, eip_hbm.at[pl.ds(base, _E_PER_TILE)])


def _sc_degree(ei_flat, ew):
    mesh = plsc.VectorSubcoreMesh(core_axis_name="c", subcore_axis_name="s")
    return pl.kernel(
        _sc_degree_body,
        mesh=mesh,
        compiler_params=pltpu.CompilerParams(needs_layout_passes=False),
        out_type=[
            jax.ShapeDtypeStruct((NW, N_NODES), jnp.float32),
            jax.ShapeDtypeStruct((N_EDGES,), jnp.int32),
        ],
        scratch_types=[
            pltpu.VMEM((_E_PER_TILE,), jnp.int32),
            pltpu.VMEM((_E_PER_TILE,), jnp.int32),
            pltpu.VMEM((_E_PER_TILE,), jnp.float32),
            pltpu.VMEM((N_NODES,), jnp.float32),
            pltpu.VMEM((_E_PER_TILE,), jnp.int32),
        ],
    )(ei_flat, ew)




def _tc_prep_body(x_ref, w1_ref, degp_ref, xwt_ref, dinv_ref):
    deg = jnp.sum(degp_ref[...], axis=0, keepdims=True) + 1.0
    dinv = jnp.where(deg > 0, lax.rsqrt(jnp.maximum(deg, 1e-12)), 0.0)
    xwt = lax.dot_general(
        w1_ref[...], x_ref[...], (((0,), (1,)), ((), ())),
        preferred_element_type=jnp.float32,
    )
    xwt_ref[...] = xwt * dinv
    dinv_ref[...] = dinv


def _tc_prep(x, w1, degp):
    return pl.pallas_call(
        _tc_prep_body,
        out_shape=[
            jax.ShapeDtypeStruct((D_HID, N_NODES), jnp.float32),
            jax.ShapeDtypeStruct((1, N_NODES), jnp.float32),
        ],
    )(x, w1, degp)



FC = 4
N_FC = D_HID // FC
N_ES = NW // N_FC
_E_PER_SLAB = N_EDGES // N_ES
_CH = 8000
_N_CH = _E_PER_SLAB // _CH
_G_MSG = _CH // L
_CHUNK_W = FC * N_NODES
_ZA = _CHUNK_W // L


_HALF_W = 2 * N_NODES
_G_PACK = N_NODES // L


def _sc_msg_body(xwt_hbm, dinv_hbm, eip_hbm, ew_hbm, accp_hbm,
                 stage_v, xw2_v, dinv_v, acc_v,
                 ei0, ei1, ew0, ew1, sem0, sem1, sem2):
    wid = lax.axis_index("s") * NC + lax.axis_index("c")
    fc = wid % N_FC
    es = wid // N_FC
    eis, ews = (ei0, ei1), (ew0, ew1)
    sems = (sem0, sem1)
    ebase = es * _E_PER_SLAB

    def start(k, b):
        cb = ebase + k * _CH
        pltpu.async_copy(eip_hbm.at[pl.ds(cb, _CH)], eis[b], sems[b])
        pltpu.async_copy(ew_hbm.at[pl.ds(cb, _CH)], ews[b], sems[b])

    def drain(b):
        pltpu.make_async_copy(eip_hbm.at[pl.ds(0, _CH)], eis[b], sems[b]).wait()
        pltpu.make_async_copy(ew_hbm.at[pl.ds(0, _CH)], ews[b], sems[b]).wait()

    start(0, 0)
    start(1, 1)
    pltpu.async_copy(
        xwt_hbm.at[pl.ds(fc * _CHUNK_W, _HALF_W)], stage_v, sem2)
    pltpu.async_copy(dinv_hbm, dinv_v, sem2)

    @plsc.parallel_loop(0, _ZA, unroll=8)
    def _zero(i):
        acc_v[pl.ds(i * L, L)] = jnp.zeros((L,), jnp.float32)

    pltpu.make_async_copy(xwt_hbm.at[pl.ds(0, _HALF_W)], stage_v, sem2).wait()
    pltpu.make_async_copy(dinv_hbm, dinv_v, sem2).wait()

    for h in range(2):
        hbase = h * N_NODES

        @plsc.parallel_loop(0, _G_PACK, unroll=4)
        def _pack(p):
            s = pl.ds(p * L, L)
            a = stage_v[s]
            b2 = stage_v[pl.ds(N_NODES + p * L, L)]
            pk = plsc.pack(a, b2, format=plsc.PackFormat.INTERLEAVED)
            xw2_v[pl.ds(hbase + p * L, L)] = plsc.bitcast(pk, jnp.int32)

        if h == 0:
            pltpu.async_copy(
                xwt_hbm.at[pl.ds(fc * _CHUNK_W + _HALF_W, _HALF_W)],
                stage_v, sem2)
            pltpu.make_async_copy(
                xwt_hbm.at[pl.ds(0, _HALF_W)], stage_v, sem2).wait()

    @pl.loop(0, _N_CH, step=2)
    def _outer(k0):
        for b in range(2):
            k = k0 + b
            drain(b)
            ei_v, ew_v = eis[b], ews[b]

            @plsc.parallel_loop(0, _G_MSG, unroll=4)
            def _group(g):
                s = pl.ds(g * L, L)
                ei = ei_v[s]
                vd = ei & jnp.int32(16383)
                vs = lax.shift_right_logical(ei, 14)
                scale = ew_v[s] * plsc.load_gather(dinv_v, [vd])
                for c2 in range(2):
                    pk = plsc.load_gather(xw2_v, [vs + jnp.int32(c2 * N_NODES)])
                    a, b2 = plsc.unpack(
                        plsc.bitcast(pk, jnp.bfloat16),
                        format=plsc.PackFormat.INTERLEAVED)
                    off0 = jnp.int32(2 * c2 * N_NODES)
                    off1 = jnp.int32((2 * c2 + 1) * N_NODES)
                    plsc.addupdate_scatter(acc_v, [vd + off0], a * scale)
                    plsc.addupdate_scatter(acc_v, [vd + off1], b2 * scale)

            @pl.when(k + 2 < _N_CH)
            def _():
                start(k + 2, b)

    pltpu.sync_copy(acc_v, accp_hbm.at[es, fc])


def _sc_msg(xwt_flat, dinv_flat, eip, ew):
    mesh = plsc.VectorSubcoreMesh(core_axis_name="c", subcore_axis_name="s")
    return pl.kernel(
        _sc_msg_body,
        mesh=mesh,
        compiler_params=pltpu.CompilerParams(needs_layout_passes=False),
        out_type=jax.ShapeDtypeStruct((N_ES, N_FC, _CHUNK_W), jnp.float32),
        scratch_types=[
            pltpu.VMEM((_HALF_W,), jnp.float32),
            pltpu.VMEM((_HALF_W,), jnp.int32),
            pltpu.VMEM((N_NODES,), jnp.float32),
            pltpu.VMEM((_CHUNK_W,), jnp.float32),
            pltpu.VMEM((_CH,), jnp.int32),
            pltpu.VMEM((_CH,), jnp.int32),
            pltpu.VMEM((_CH,), jnp.float32),
            pltpu.VMEM((_CH,), jnp.float32),
            pltpu.SemaphoreType.DMA,
            pltpu.SemaphoreType.DMA,
            pltpu.SemaphoreType.DMA,
        ],
    )(xwt_flat, dinv_flat, eip, ew)




def _tc_out_body(accp_ref, xwt_ref, dinv_ref, b1_ref, w2_ref, b2_ref, y_ref):
    h = jnp.sum(accp_ref[...], axis=0)
    h = h + dinv_ref[...] * xwt_ref[...] + b1_ref[...]
    h = jnp.maximum(h, 0.0)
    y = lax.dot_general(
        h, w2_ref[...], (((0,), (0,)), ((), ())),
        preferred_element_type=jnp.float32,
    )
    y_ref[...] = y + b2_ref[...]


def _tc_out(accp, xwt, dinv, b1, w2, b2):
    return pl.pallas_call(
        _tc_out_body,
        out_shape=jax.ShapeDtypeStruct((N_NODES, 1), jnp.float32),
    )(accp, xwt, dinv, b1, w2, b2)




def kernel(x, edge_index, edge_weight, W1, b1, W2, b2):
    ei = edge_index.astype(jnp.int32)
    ew = edge_weight.astype(jnp.float32)

    degp, eip = _sc_degree(ei.reshape(-1), ew)
    xwt, dinv = _tc_prep(x, W1, degp)
    accp = _sc_msg(xwt.reshape(-1), dinv.reshape(-1), eip, ew)
    accp = accp.reshape(N_ES, D_HID, N_NODES)
    return _tc_out(accp, xwt, dinv, b1.reshape(D_HID, 1), W2, b2.reshape(1, 1))

# --- scband reference (transcript-rebuilt; emitter-appended) ---
"""Pipeline reference for scband-stgcn-model-35115652612671 (READ-ONLY COPY).

The authoritative reference and input builder live on the scoring server;
editing this copy changes nothing except your own understanding.
"""

import jax, jax.numpy as jnp
import numpy as np

N_NODES = 10000
N_EDGES = 320000
D_FEAT = 128
D_HID = 32

def setup_inputs(seed: int = 0) -> dict:
    key = jax.random.key(seed)
    k1, k2, k3, k4, k5, k6, k7 = jax.random.split(key, 7)
    x = jax.random.normal(k1, (N_NODES, D_FEAT), dtype=jnp.float32)
    edge_index = jax.random.randint(k2, (2, N_EDGES), 0, N_NODES, dtype=jnp.int64)
    edge_weight = jax.random.uniform(k3, (N_EDGES,), dtype=jnp.float32)
    # learned params: GCN conv weight/bias (node_features -> 32), final Linear(32 -> 1)
    W1 = jax.random.normal(k4, (D_FEAT, D_HID), dtype=jnp.float32) * (1.0 / np.sqrt(D_FEAT))
    b1 = jnp.zeros((D_HID,), dtype=jnp.float32)
    W2 = jax.random.normal(k5, (D_HID, 1), dtype=jnp.float32) * (1.0 / np.sqrt(D_HID))
    b2 = jnp.zeros((1,), dtype=jnp.float32)
    return {"x": x, "edge_index": edge_index, "edge_weight": edge_weight, "W1": W1, "b1": b1, "W2": W2, "b2": b2}

def _gcn_conv(x, edge_index, edge_weight, W, b):
    n = x.shape[0]
    src = edge_index[0]
    dst = edge_index[1]
    # add self-loops with weight 1 (GCN default)
    loop = jnp.arange(n, dtype=edge_index.dtype)
    src = jnp.concatenate([src, loop])
    dst = jnp.concatenate([dst, loop])
    ew = jnp.concatenate([edge_weight, jnp.ones((n,), dtype=edge_weight.dtype)])
    # symmetric normalization D^{-1/2} A D^{-1/2}
    deg = jnp.zeros((n,), dtype=x.dtype).at[dst].add(ew)
    dinv = jnp.where(deg > 0, jax.lax.rsqrt(jnp.maximum(deg, 1e-12)), 0.0)
    norm = dinv[src] * ew * dinv[dst]
    xw = x @ W
    msg = jnp.take(xw, src, axis=0) * norm[:, None]
    out = jnp.zeros((n, W.shape[1]), dtype=x.dtype).at[dst].add(msg)
    return out + b

def reference(x, edge_index, edge_weight, W1, b1, W2, b2):
    h = _gcn_conv(x, edge_index, edge_weight, W1, b1)
    h = jax.nn.relu(h)
    y = h @ W2 + b2
    return y

if __name__ == "__main__":
    import jax
    _d = setup_inputs()
    print(jax.jit(kernel)(*tuple(_d.values())))

</pallas_src>

<mosaic_0001>
#map = affine_map<(d0, d1) -> (0)>
#map1 = affine_map<(d0, d1) -> (0, 0)>
module attributes {stable_mosaic.version = 14 : i64} {
  func.func @_sc_degree_body(%arg0: i32, %arg1: i32, %arg2: memref<640000xi32, #tpu.memory_space<hbm>>, %arg3: memref<320000xf32, #tpu.memory_space<hbm>>, %arg4: memref<32x10000xf32, #tpu.memory_space<hbm>>, %arg5: memref<320000xi32, #tpu.memory_space<hbm>>, %arg6: memref<10000xi32, #tpu.memory_space<vmem>>, %arg7: memref<10000xi32, #tpu.memory_space<vmem>>, %arg8: memref<10000xf32, #tpu.memory_space<vmem>>, %arg9: memref<10000xf32, #tpu.memory_space<vmem>>, %arg10: memref<10000xi32, #tpu.memory_space<vmem>>) attributes {dimension_semantics = [#tpu.dimension_semantics<core_parallel>, #tpu.dimension_semantics<subcore_parallel>], iteration_bounds = array<i64: 2, 16>, scalar_prefetch = 0 : i64, scratch_operands = 5 : i64, tpu.core_type = #tpu.core_type<sc_vector_subcore>, window_params = [{transform_indices = #map}, {transform_indices = #map}, {transform_indices = #map1}, {transform_indices = #map}]} {
    %mul3A = arith.constant 2 : i32
    %mul3A_0 = arith.muli %arg1, %mul3A : i32
    %add3A = arith.addi %mul3A_0, %arg0 : i32
    %mul3A_1 = arith.constant 10000 : i32
    %mul3A_2 = arith.muli %add3A, %mul3A_1 : i32
    "tpu.region"() ({
      %run_scoped3A = tpu.sem_alloc : memref<!tpu.dma_semaphore, #tpu.memory_space<semaphore_mem>>
      %dma_start3A = tpu.memref_slice %arg2[%mul3A_2] : memref<640000xi32, #tpu.memory_space<hbm>> -> memref<10000xi32, #tpu.memory_space<hbm>>
      %dma_start3A_10 = tpu.memref_slice %arg2[%mul3A_2] : memref<640000xi32, #tpu.memory_space<hbm>> -> memref<10000xi32, #tpu.memory_space<hbm>>
      tpu.enqueue_dma source(%dma_start3A_10 : memref<10000xi32, #tpu.memory_space<hbm>>) target(%arg6 : memref<10000xi32, #tpu.memory_space<vmem>>) target_semaphore(%run_scoped3A : memref<!tpu.dma_semaphore, #tpu.memory_space<semaphore_mem>>)
      %dma_wait3A = tpu.memref_slice %arg2[%mul3A_2] : memref<640000xi32, #tpu.memory_space<hbm>> -> memref<10000xi32, #tpu.memory_space<hbm>>
      %dma_wait3A_11 = tpu.memref_slice %arg2[%mul3A_2] : memref<640000xi32, #tpu.memory_space<hbm>> -> memref<10000xi32, #tpu.memory_space<hbm>>
      tpu.wait_dma2 semaphore(%run_scoped3A : memref<!tpu.dma_semaphore, #tpu.memory_space<semaphore_mem>>) src(%dma_wait3A_11 : memref<10000xi32, #tpu.memory_space<hbm>>) dst(%arg6 : memref<10000xi32, #tpu.memory_space<vmem>>)
      tpu.yield
    }) : () -> ()
    %add3A_3 = arith.constant 320000 : i32
    %add3A_4 = arith.addi %add3A_3, %mul3A_2 : i32
    "tpu.region"() ({
      %run_scoped3A = tpu.sem_alloc : memref<!tpu.dma_semaphore, #tpu.memory_space<semaphore_mem>>
      %dma_start3A = tpu.memref_slice %arg2[%add3A_4] : memref<640000xi32, #tpu.memory_space<hbm>> -> memref<10000xi32, #tpu.memory_space<hbm>>
      %dma_start3A_10 = tpu.memref_slice %arg2[%add3A_4] : memref<640000xi32, #tpu.memory_space<hbm>> -> memref<10000xi32, #tpu.memory_space<hbm>>
      tpu.enqueue_dma source(%dma_start3A_10 : memref<10000xi32, #tpu.memory_space<hbm>>) target(%arg7 : memref<10000xi32, #tpu.memory_space<vmem>>) target_semaphore(%run_scoped3A : memref<!tpu.dma_semaphore, #tpu.memory_space<semaphore_mem>>)
      %dma_wait3A = tpu.memref_slice %arg2[%add3A_4] : memref<640000xi32, #tpu.memory_space<hbm>> -> memref<10000xi32, #tpu.memory_space<hbm>>
      %dma_wait3A_11 = tpu.memref_slice %arg2[%add3A_4] : memref<640000xi32, #tpu.memory_space<hbm>> -> memref<10000xi32, #tpu.memory_space<hbm>>
      tpu.wait_dma2 semaphore(%run_scoped3A : memref<!tpu.dma_semaphore, #tpu.memory_space<semaphore_mem>>) src(%dma_wait3A_11 : memref<10000xi32, #tpu.memory_space<hbm>>) dst(%arg7 : memref<10000xi32, #tpu.memory_space<vmem>>)
      tpu.yield
    }) : () -> ()
    "tpu.region"() ({
      %run_scoped3A = tpu.sem_alloc : memref<!tpu.dma_semaphore, #tpu.memory_space<semaphore_mem>>
      %dma_start3A = tpu.memref_slice %arg3[%mul3A_2] : memref<320000xf32, #tpu.memory_space<hbm>> -> memref<10000xf32, #tpu.memory_space<hbm>>
      %dma_start3A_10 = tpu.memref_slice %arg3[%mul3A_2] : memref<320000xf32, #tpu.memory_space<hbm>> -> memref<10000xf32, #tpu.memory_space<hbm>>
      tpu.enqueue_dma source(%dma_start3A_10 : memref<10000xf32, #tpu.memory_space<hbm>>) target(%arg8 : memref<10000xf32, #tpu.memory_space<vmem>>) target_semaphore(%run_scoped3A : memref<!tpu.dma_semaphore, #tpu.memory_space<semaphore_mem>>)
      %dma_wait3A = tpu.memref_slice %arg3[%mul3A_2] : memref<320000xf32, #tpu.memory_space<hbm>> -> memref<10000xf32, #tpu.memory_space<hbm>>
      %dma_wait3A_11 = tpu.memref_slice %arg3[%mul3A_2] : memref<320000xf32, #tpu.memory_space<hbm>> -> memref<10000xf32, #tpu.memory_space<hbm>>
      tpu.wait_dma2 semaphore(%run_scoped3A : memref<!tpu.dma_semaphore, #tpu.memory_space<semaphore_mem>>) src(%dma_wait3A_11 : memref<10000xf32, #tpu.memory_space<hbm>>) dst(%arg8 : memref<10000xf32, #tpu.memory_space<vmem>>)
      tpu.yield
    }) : () -> ()
    %parallel_loop3A = arith.constant 0 : i32
    %parallel_loop3A_5 = arith.constant 625 : i32
    %parallel_loop3A_6 = arith.constant 1 : i32
    scf.for %parallel_loop3A_10 = %parallel_loop3A to %parallel_loop3A_5 step %parallel_loop3A_6  : i32 {
      %parallel_loop3A_11 = arith.constant 0.000000e+00 : f32
      %parallel_loop3A_12 = vector.broadcast %parallel_loop3A_11 : f32 to vector<16xf32>
      %parallel_loop3A_13 = arith.constant 16 : i32
      %parallel_loop3A_14 = arith.muli %parallel_loop3A_10, %parallel_loop3A_13 : i32
      %parallel_loop3A_15 = arith.index_cast %parallel_loop3A_14 : i32 to index
      %parallel_loop3A_16 = tpu.vector_load %arg9[%parallel_loop3A_15] {strides = array<i32>} : memref<10000xf32, #tpu.memory_space<vmem>>, vector<16xf32>,
      tpu.vector_store %arg9[%parallel_loop3A_15], %parallel_loop3A_12 {strides = array<i32>} : memref<10000xf32, #tpu.memory_space<vmem>>, vector<16xf32>,
    } {sc.loop_unroll_factor = 8 : i64, sc.parallel_access}
    %parallel_loop3A_7 = arith.constant 0 : i32
    %parallel_loop3A_8 = arith.constant 625 : i32
    %parallel_loop3A_9 = arith.constant 1 : i32
    scf.for %parallel_loop3A_10 = %parallel_loop3A_7 to %parallel_loop3A_8 step %parallel_loop3A_9  : i32 {
      %parallel_loop3A_11 = arith.constant 16 : i32
      %parallel_loop3A_12 = arith.muli %parallel_loop3A_10, %parallel_loop3A_11 : i32
      %parallel_loop3A_13 = arith.index_cast %parallel_loop3A_12 : i32 to index
      %parallel_loop3A_14 = tpu.vector_load %arg7[%parallel_loop3A_13] {strides = array<i32>} : memref<10000xi32, #tpu.memory_space<vmem>>, vector<16xi32>,
      %parallel_loop3A_15 = arith.index_cast %parallel_loop3A_12 : i32 to index
      %parallel_loop3A_16 = tpu.vector_load %arg8[%parallel_loop3A_15] {strides = array<i32>} : memref<10000xf32, #tpu.memory_space<vmem>>, vector<16xf32>,
      tpu.vector_store_idx %arg9[%parallel_loop3A_14], %parallel_loop3A_16 {add = true} : memref<10000xf32, #tpu.memory_space<vmem>>[vector<16xi32>], vector<16xf32>,
      %parallel_loop3A_17 = arith.index_cast %parallel_loop3A_12 : i32 to index
      %parallel_loop3A_18 = tpu.vector_load %arg6[%parallel_loop3A_17] {strides = array<i32>} : memref<10000xi32, #tpu.memory_space<vmem>>, vector<16xi32>,
      %parallel_loop3A_19 = arith.constant 14 : i32
      %parallel_loop3A_20 = vector.broadcast %parallel_loop3A_19 : i32 to vector<16xi32>
      %parallel_loop3A_21 = arith.shli %parallel_loop3A_18, %parallel_loop3A_20 : vector<16xi32>
      %parallel_loop3A_22 = arith.ori %parallel_loop3A_21, %parallel_loop3A_14 : vector<16xi32>
      %parallel_loop3A_23 = arith.index_cast %parallel_loop3A_12 : i32 to index
      %parallel_loop3A_24 = tpu.vector_load %arg10[%parallel_loop3A_23] {strides = array<i32>} : memref<10000xi32, #tpu.memory_space<vmem>>, vector<16xi32>,
      tpu.vector_store %arg10[%parallel_loop3A_23], %parallel_loop3A_22 {strides = array<i32>} : memref<10000xi32, #tpu.memory_space<vmem>>, vector<16xi32>,
    } {sc.loop_unroll_factor = 4 : i64, sc.parallel_access}
    "tpu.region"() ({
      %run_scoped3A = tpu.sem_alloc : memref<!tpu.dma_semaphore, #tpu.memory_space<semaphore_mem>>
      %dma_start3A = arith.constant 0 : i32
      %dma_start3A_10 = tpu.memref_slice %arg4[%add3A, %dma_start3A] : memref<32x10000xf32, #tpu.memory_space<hbm>> -> memref<1x10000xf32, #tpu.memory_space<hbm>>
      %dma_start3A_11 = tpu.memref_squeeze %dma_start3A_10 : memref<1x10000xf32, #tpu.memory_space<hbm>> -> memref<10000xf32, #tpu.memory_space<hbm>>
      %dma_start3A_12 = arith.constant 0 : i32
      %dma_start3A_13 = tpu.memref_slice %arg4[%add3A, %dma_start3A_12] : memref<32x10000xf32, #tpu.memory_space<hbm>> -> memref<1x10000xf32, #tpu.memory_space<hbm>>
      %dma_start3A_14 = tpu.memref_squeeze %dma_start3A_13 : memref<1x10000xf32, #tpu.memory_space<hbm>> -> memref<10000xf32, #tpu.memory_space<hbm>>
      tpu.enqueue_dma source(%arg9 : memref<10000xf32, #tpu.memory_space<vmem>>) target(%dma_start3A_14 : memref<10000xf32, #tpu.memory_space<hbm>>) target_semaphore(%run_scoped3A : memref<!tpu.dma_semaphore, #tpu.memory_space<semaphore_mem>>)
      %dma_wait3A = arith.constant 0 : i32
      %dma_wait3A_15 = tpu.memref_slice %arg4[%add3A, %dma_wait3A] : memref<32x10000xf32, #tpu.memory_space<hbm>> -> memref<1x10000xf32, #tpu.memory_space<hbm>>
      %dma_wait3A_16 = tpu.memref_squeeze %dma_wait3A_15 : memref<1x10000xf32, #tpu.memory_space<hbm>> -> memref<10000xf32, #tpu.memory_space<hbm>>
      %dma_wait3A_17 = arith.constant 0 : i32
      %dma_wait3A_18 = tpu.memref_slice %arg4[%add3A, %dma_wait3A_17] : memref<32x10000xf32, #tpu.memory_space<hbm>> -> memref<1x10000xf32, #tpu.memory_space<hbm>>
      %dma_wait3A_19 = tpu.memref_squeeze %dma_wait3A_18 : memref<1x10000xf32, #tpu.memory_space<hbm>> -> memref<10000xf32, #tpu.memory_space<hbm>>
      tpu.wait_dma2 semaphore(%run_scoped3A : memref<!tpu.dma_semaphore, #tpu.memory_space<semaphore_mem>>) src(%arg9 : memref<10000xf32, #tpu.memory_space<vmem>>) dst(%dma_wait3A_19 : memref<10000xf32, #tpu.memory_space<hbm>>)
      tpu.yield
    }) : () -> ()
    "tpu.region"() ({
      %run_scoped3A = tpu.sem_alloc : memref<!tpu.dma_semaphore, #tpu.memory_space<semaphore_mem>>
      %dma_start3A = tpu.memref_slice %arg5[%mul3A_2] : memref<320000xi32, #tpu.memory_space<hbm>> -> memref<10000xi32, #tpu.memory_space<hbm>>
      %dma_start3A_10 = tpu.memref_slice %arg5[%mul3A_2] : memref<320000xi32, #tpu.memory_space<hbm>> -> memref<10000xi32, #tpu.memory_space<hbm>>
      tpu.enqueue_dma source(%arg10 : memref<10000xi32, #tpu.memory_space<vmem>>) target(%dma_start3A_10 : memref<10000xi32, #tpu.memory_space<hbm>>) target_semaphore(%run_scoped3A : memref<!tpu.dma_semaphore, #tpu.memory_space<semaphore_mem>>)
      %dma_wait3A = tpu.memref_slice %arg5[%mul3A_2] : memref<320000xi32, #tpu.memory_space<hbm>> -> memref<10000xi32, #tpu.memory_space<hbm>>
      %dma_wait3A_11 = tpu.memref_slice %arg5[%mul3A_2] : memref<320000xi32, #tpu.memory_space<hbm>> -> memref<10000xi32, #tpu.memory_space<hbm>>
      tpu.wait_dma2 semaphore(%run_scoped3A : memref<!tpu.dma_semaphore, #tpu.memory_space<semaphore_mem>>) src(%arg10 : memref<10000xi32, #tpu.memory_space<vmem>>) dst(%dma_wait3A_11 : memref<10000xi32, #tpu.memory_space<hbm>>)
      tpu.yield
    }) : () -> ()
    return
  }
}

#map = affine_map<(d0, d1) -> (0)>
#map1 = affine_map<(d0, d1) -> (0, 0, 0)>
module attributes {stable_mosaic.version = 14 : i64} {
  func.func @_sc_msg_body(%arg0: i32, %arg1: i32, %arg2: memref<320000xf32, #tpu.memory_space<hbm>>, %arg3: memref<10000xf32, #tpu.memory_space<hbm>>, %arg4: memref<320000xi32, #tpu.memory_space<hbm>>, %arg5: memref<320000xf32, #tpu.memory_space<hbm>>, %arg6: memref<4x8x40000xf32, #tpu.memory_space<hbm>>, %arg7: memref<20000xf32, #tpu.memory_space<vmem>>, %arg8: memref<20000xi32, #tpu.memory_space<vmem>>, %arg9: memref<10000xf32, #tpu.memory_space<vmem>>, %arg10: memref<40000xf32, #tpu.memory_space<vmem>>, %arg11: memref<8000xi32, #tpu.memory_space<vmem>>, %arg12: memref<8000xi32, #tpu.memory_space<vmem>>, %arg13: memref<8000xf32, #tpu.memory_space<vmem>>, %arg14: memref<8000xf32, #tpu.memory_space<vmem>>, %arg15: memref<!tpu.dma_semaphore, #tpu.memory_space<semaphore_mem>>, %arg16: memref<!tpu.dma_semaphore, #tpu.memory_space<semaphore_mem>>, %arg17: memref<!tpu.dma_semaphore, #tpu.memory_space<semaphore_mem>>) attributes {dimension_semantics = [#tpu.dimension_semantics<core_parallel>, #tpu.dimension_semantics<subcore_parallel>], iteration_bounds = array<i64: 2, 16>, scalar_prefetch = 0 : i64, scratch_operands = 11 : i64, tpu.core_type = #tpu.core_type<sc_vector_subcore>, window_params = [{transform_indices = #map}, {transform_indices = #map}, {transform_indices = #map}, {transform_indices = #map}, {transform_indices = #map1}]} {
    %mul3A = arith.constant 2 : i32
    %mul3A_0 = arith.muli %arg1, %mul3A : i32
    %add3A = arith.addi %mul3A_0, %arg0 : i32
    %jit3A = arith.constant 8 : i32
    %eq3A = arith.constant 0 : i32
    %eq3A_1 = arith.cmpi eq, %jit3A, %eq3A : i32
    %jit3A_2 = arith.constant 1 : i32
    %select_n3A = arith.select %eq3A_1, %jit3A_2, %jit3A : i32
    %rem3A = arith.remsi %add3A, %select_n3A : i32
    %ne3A = arith.constant 0 : i32
    %ne3A_3 = arith.cmpi ne, %rem3A, %ne3A : i32
    %lt3A = arith.constant 0 : i32
    %lt3A_4 = arith.cmpi slt, %rem3A, %lt3A : i32
    %lt3A_5 = arith.constant 0 : i32
    %lt3A_6 = arith.cmpi slt, %select_n3A, %lt3A_5 : i32
    %ne3A_7 = arith.xori %lt3A_4, %lt3A_6 : i1
    %and3A = arith.andi %ne3A_7, %ne3A_3 : i1
    %add3A_8 = arith.addi %rem3A, %select_n3A : i32
    %select_n3A_9 = arith.select %and3A, %add3A_8, %rem3A : i32
    %jit3A_10 = arith.constant 8 : i32
    %div3A = arith.divsi %add3A, %jit3A_10 : i32
    %sign3A = arith.constant 0 : i32
    %sign3A_11 = arith.cmpi sgt, %add3A, %sign3A : i32
    %sign3A_12 = arith.extui %sign3A_11 : i1 to i32
    %sign3A_13 = arith.constant 0 : i32
    %sign3A_14 = arith.cmpi slt, %add3A, %sign3A_13 : i32
    %sign3A_15 = arith.extui %sign3A_14 : i1 to i32
    %sign3A_16 = arith.subi %sign3A_12, %sign3A_15 : i32
    %sign3A_17 = arith.constant 0 : i32
    %sign3A_18 = arith.cmpi sgt, %jit3A_10, %sign3A_17 : i32
    %sign3A_19 = arith.extui %sign3A_18 : i1 to i32
    %sign3A_20 = arith.constant 0 : i32
    %sign3A_21 = arith.cmpi slt, %jit3A_10, %sign3A_20 : i32
    %sign3A_22 = arith.extui %sign3A_21 : i1 to i32
    %sign3A_23 = arith.subi %sign3A_19, %sign3A_22 : i32
    %ne3A_24 = arith.cmpi ne, %sign3A_16, %sign3A_23 : i32
    %rem3A_25 = arith.remsi %add3A, %jit3A_10 : i32
    %ne3A_26 = arith.constant 0 : i32
    %ne3A_27 = arith.cmpi ne, %rem3A_25, %ne3A_26 : i32
    %and3A_28 = arith.andi %ne3A_24, %ne3A_27 : i1
    %sub3A = arith.constant 1 : i32
    %sub3A_29 = arith.subi %div3A, %sub3A : i32
    %select_n3A_30 = arith.select %and3A_28, %sub3A_29, %div3A : i32
    %mul3A_31 = arith.constant 80000 : i32
    %mul3A_32 = arith.muli %select_n3A_30, %mul3A_31 : i32
    %add3A_33 = arith.constant 0 : i32
    %add3A_34 = arith.addi %mul3A_32, %add3A_33 : i32
    %dma_start3A = tpu.memref_slice %arg4[%add3A_34] : memref<320000xi32, #tpu.memory_space<hbm>> -> memref<8000xi32, #tpu.memory_space<hbm>>
    %dma_start3A_35 = tpu.memref_slice %arg4[%add3A_34] : memref<320000xi32, #tpu.memory_space<hbm>> -> memref<8000xi32, #tpu.memory_space<hbm>>
    tpu.enqueue_dma source(%dma_start3A_35 : memref<8000xi32, #tpu.memory_space<hbm>>) target(%arg11 : memref<8000xi32, #tpu.memory_space<vmem>>) target_semaphore(%arg15 : memref<!tpu.dma_semaphore, #tpu.memory_space<semaphore_mem>>)
    %dma_start3A_36 = tpu.memref_slice %arg5[%add3A_34] : memref<320000xf32, #tpu.memory_space<hbm>> -> memref<8000xf32, #tpu.memory_space<hbm>>
    %dma_start3A_37 = tpu.memref_slice %arg5[%add3A_34] : memref<320000xf32, #tpu.memory_space<hbm>> -> memref<8000xf32, #tpu.memory_space<hbm>>
    tpu.enqueue_dma source(%dma_start3A_37 : memref<8000xf32, #tpu.memory_space<hbm>>) target(%arg13 : memref<8000xf32, #tpu.memory_space<vmem>>) target_semaphore(%arg15 : memref<!tpu.dma_semaphore, #tpu.memory_space<semaphore_mem>>)
    %add3A_38 = arith.constant 8000 : i32
    %add3A_39 = arith.addi %mul3A_32, %add3A_38 : i32
    %dma_start3A_40 = tpu.memref_slice %arg4[%add3A_39] : memref<320000xi32, #tpu.memory_space<hbm>> -> memref<8000xi32, #tpu.memory_space<hbm>>
    %dma_start3A_41 = tpu.memref_slice %arg4[%add3A_39] : memref<320000xi32, #tpu.memory_space<hbm>> -> memref<8000xi32, #tpu.memory_space<hbm>>
    tpu.enqueue_dma source(%dma_start3A_41 : memref<8000xi32, #tpu.memory_space<hbm>>) target(%arg12 : memref<8000xi32, #tpu.memory_space<vmem>>) target_semaphore(%arg16 : memref<!tpu.dma_semaphore, #tpu.memory_space<semaphore_mem>>)
    %dma_start3A_42 = tpu.memref_slice %arg5[%add3A_39] : memref<320000xf32, #tpu.memory_space<hbm>> -> memref<8000xf32, #tpu.memory_space<hbm>>
    %dma_start3A_43 = tpu.memref_slice %arg5[%add3A_39] : memref<320000xf32, #tpu.memory_space<hbm>> -> memref<8000xf32, #tpu.memory_space<hbm>>
    tpu.enqueue_dma source(%dma_start3A_43 : memref<8000xf32, #tpu.memory_space<hbm>>) target(%arg14 : memref<8000xf32, #tpu.memory_space<vmem>>) target_semaphore(%arg16 : memref<!tpu.dma_semaphore, #tpu.memory_space<semaphore_mem>>)
    %mul3A_44 = arith.constant 40000 : i32
    %mul3A_45 = arith.muli %select_n3A_9, %mul3A_44 : i32
    %dma_start3A_46 = tpu.memref_slice %arg2[%mul3A_45] : memref<320000xf32, #tpu.memory_space<hbm>> -> memref<20000xf32, #tpu.memory_space<hbm>>
    %dma_start3A_47 = tpu.memref_slice %arg2[%mul3A_45] : memref<320000xf32, #tpu.memory_space<hbm>> -> memref<20000xf32, #tpu.memory_space<hbm>>
    tpu.enqueue_dma source(%dma_start3A_47 : memref<20000xf32, #tpu.memory_space<hbm>>) target(%arg7 : memref<20000xf32, #tpu.memory_space<vmem>>) target_semaphore(%arg17 : memref<!tpu.dma_semaphore, #tpu.memory_space<semaphore_mem>>)
    tpu.enqueue_dma source(%arg3 : memref<10000xf32, #tpu.memory_space<hbm>>) target(%arg9 : memref<10000xf32, #tpu.memory_space<vmem>>) target_semaphore(%arg17 : memref<!tpu.dma_semaphore, #tpu.memory_space<semaphore_mem>>)
    %parallel_loop3A = arith.constant 0 : i32
    %parallel_loop3A_48 = arith.constant 2500 : i32
    %parallel_loop3A_49 = arith.constant 1 : i32
    scf.for %parallel_loop3A_73 = %parallel_loop3A to %parallel_loop3A_48 step %parallel_loop3A_49  : i32 {
      %parallel_loop3A_74 = arith.constant 0.000000e+00 : f32
      %parallel_loop3A_75 = vector.broadcast %parallel_loop3A_74 : f32 to vector<16xf32>
      %parallel_loop3A_76 = arith.constant 16 : i32
      %parallel_loop3A_77 = arith.muli %parallel_loop3A_73, %parallel_loop3A_76 : i32
      %parallel_loop3A_78 = arith.index_cast %parallel_loop3A_77 : i32 to index
      %parallel_loop3A_79 = tpu.vector_load %arg10[%parallel_loop3A_78] {strides = array<i32>} : memref<40000xf32, #tpu.memory_space<vmem>>, vector<16xf32>,
      tpu.vector_store %arg10[%parallel_loop3A_78], %parallel_loop3A_75 {strides = array<i32>} : memref<40000xf32, #tpu.memory_space<vmem>>, vector<16xf32>,
    } {sc.loop_unroll_factor = 8 : i64, sc.parallel_access}
    %dma_wait3A = arith.constant 0 : i32
    %dma_wait3A_50 = tpu.memref_slice %arg2[%dma_wait3A] : memref<320000xf32, #tpu.memory_space<hbm>> -> memref<20000xf32, #tpu.memory_space<hbm>>
    %dma_wait3A_51 = arith.constant 0 : i32
    %dma_wait3A_52 = tpu.memref_slice %arg2[%dma_wait3A_51] : memref<320000xf32, #tpu.memory_space<hbm>> -> memref<20000xf32, #tpu.memory_space<hbm>>
    tpu.wait_dma2 semaphore(%arg17 : memref<!tpu.dma_semaphore, #tpu.memory_space<semaphore_mem>>) src(%dma_wait3A_52 : memref<20000xf32, #tpu.memory_space<hbm>>) dst(%arg7 : memref<20000xf32, #tpu.memory_space<vmem>>)
    tpu.wait_dma2 semaphore(%arg17 : memref<!tpu.dma_semaphore, #tpu.memory_space<semaphore_mem>>) src(%arg3 : memref<10000xf32, #tpu.memory_space<hbm>>) dst(%arg9 : memref<10000xf32, #tpu.memory_space<vmem>>)
    %parallel_loop3A_53 = arith.constant 0 : i32
    %parallel_loop3A_54 = arith.constant 625 : i32
    %parallel_loop3A_55 = arith.constant 1 : i32
    scf.for %parallel_loop3A_73 = %parallel_loop3A_53 to %parallel_loop3A_54 step %parallel_loop3A_55  : i32 {
      %parallel_loop3A_74 = arith.constant 16 : i32
      %parallel_loop3A_75 = arith.muli %parallel_loop3A_73, %parallel_loop3A_74 : i32
      %parallel_loop3A_76 = arith.index_cast %parallel_loop3A_75 : i32 to index
      %parallel_loop3A_77 = tpu.vector_load %arg7[%parallel_loop3A_76] {strides = array<i32>} : memref<20000xf32, #tpu.memory_space<vmem>>, vector<16xf32>,
      %parallel_loop3A_78 = arith.constant 16 : i32
      %parallel_loop3A_79 = arith.muli %parallel_loop3A_73, %parallel_loop3A_78 : i32
      %parallel_loop3A_80 = arith.constant 10000 : i32
      %parallel_loop3A_81 = arith.addi %parallel_loop3A_80, %parallel_loop3A_79 : i32
      %parallel_loop3A_82 = arith.index_cast %parallel_loop3A_81 : i32 to index
      %parallel_loop3A_83 = tpu.vector_load %arg7[%parallel_loop3A_82] {strides = array<i32>} : memref<20000xf32, #tpu.memory_space<vmem>>, vector<16xf32>,
      %parallel_loop3A_84 = tpu.pack_subelements %parallel_loop3A_77, %parallel_loop3A_83 {pack_format = #tpu.pack_format<interleaved>, positions = array<i32: 0, 1>} : vector<16xf32>, vector<16xf32> -> vector<32xbf16>
      %parallel_loop3A_85 = vector.bitcast %parallel_loop3A_84 : vector<32xbf16> to vector<16xi32>
      %parallel_loop3A_86 = arith.constant 16 : i32
      %parallel_loop3A_87 = arith.muli %parallel_loop3A_73, %parallel_loop3A_86 : i32
      %parallel_loop3A_88 = arith.constant 0 : i32
      %parallel_loop3A_89 = arith.addi %parallel_loop3A_88, %parallel_loop3A_87 : i32
      %parallel_loop3A_90 = arith.index_cast %parallel_loop3A_89 : i32 to index
      %parallel_loop3A_91 = tpu.vector_load %arg8[%parallel_loop3A_90] {strides = array<i32>} : memref<20000xi32, #tpu.memory_space<vmem>>, vector<16xi32>,
      tpu.vector_store %arg8[%parallel_loop3A_90], %parallel_loop3A_85 {strides = array<i32>} : memref<20000xi32, #tpu.memory_space<vmem>>, vector<16xi32>,
    } {sc.loop_unroll_factor = 4 : i64, sc.parallel_access}
    %mul3A_56 = arith.constant 40000 : i32
    %mul3A_57 = arith.muli %select_n3A_9, %mul3A_56 : i32
    %add3A_58 = arith.constant 20000 : i32
    %add3A_59 = arith.addi %mul3A_57, %add3A_58 : i32
    %dma_start3A_60 = tpu.memref_slice %arg2[%add3A_59] : memref<320000xf32, #tpu.memory_space<hbm>> -> memref<20000xf32, #tpu.memory_space<hbm>>
    %dma_start3A_61 = tpu.memref_slice %arg2[%add3A_59] : memref<320000xf32, #tpu.memory_space<hbm>> -> memref<20000xf32, #tpu.memory_space<hbm>>
    tpu.enqueue_dma source(%dma_start3A_61 : memref<20000xf32, #tpu.memory_space<hbm>>) target(%arg7 : memref<20000xf32, #tpu.memory_space<vmem>>) target_semaphore(%arg17 : memref<!tpu.dma_semaphore, #tpu.memory_space<semaphore_mem>>)
    %dma_wait3A_62 = arith.constant 0 : i32
    %dma_wait3A_63 = tpu.memref_slice %arg2[%dma_wait3A_62] : memref<320000xf32, #tpu.memory_space<hbm>> -> memref<20000xf32, #tpu.memory_space<hbm>>
    %dma_wait3A_64 = arith.constant 0 : i32
    %dma_wait3A_65 = tpu.memref_slice %arg2[%dma_wait3A_64] : memref<320000xf32, #tpu.memory_space<hbm>> -> memref<20000xf32, #tpu.memory_space<hbm>>
    tpu.wait_dma2 semaphore(%arg17 : memref<!tpu.dma_semaphore, #tpu.memory_space<semaphore_mem>>) src(%dma_wait3A_65 : memref<20000xf32, #tpu.memory_space<hbm>>) dst(%arg7 : memref<20000xf32, #tpu.memory_space<vmem>>)
    %parallel_loop3A_66 = arith.constant 0 : i32
    %parallel_loop3A_67 = arith.constant 625 : i32
    %parallel_loop3A_68 = arith.constant 1 : i32
    scf.for %parallel_loop3A_73 = %parallel_loop3A_66 to %parallel_loop3A_67 step %parallel_loop3A_68  : i32 {
      %parallel_loop3A_74 = arith.constant 16 : i32
      %parallel_loop3A_75 = arith.muli %parallel_loop3A_73, %parallel_loop3A_74 : i32
      %parallel_loop3A_76 = arith.index_cast %parallel_loop3A_75 : i32 to index
      %parallel_loop3A_77 = tpu.vector_load %arg7[%parallel_loop3A_76] {strides = array<i32>} : memref<20000xf32, #tpu.memory_space<vmem>>, vector<16xf32>,
      %parallel_loop3A_78 = arith.constant 16 : i32
      %parallel_loop3A_79 = arith.muli %parallel_loop3A_73, %parallel_loop3A_78 : i32
      %parallel_loop3A_80 = arith.constant 10000 : i32
      %parallel_loop3A_81 = arith.addi %parallel_loop3A_80, %parallel_loop3A_79 : i32
      %parallel_loop3A_82 = arith.index_cast %parallel_loop3A_81 : i32 to index
      %parallel_loop3A_83 = tpu.vector_load %arg7[%parallel_loop3A_82] {strides = array<i32>} : memref<20000xf32, #tpu.memory_space<vmem>>, vector<16xf32>,
      %parallel_loop3A_84 = tpu.pack_subelements %parallel_loop3A_77, %parallel_loop3A_83 {pack_format = #tpu.pack_format<interleaved>, positions = array<i32: 0, 1>} : vector<16xf32>, vector<16xf32> -> vector<32xbf16>
      %parallel_loop3A_85 = vector.bitcast %parallel_loop3A_84 : vector<32xbf16> to vector<16xi32>
      %parallel_loop3A_86 = arith.constant 16 : i32
      %parallel_loop3A_87 = arith.muli %parallel_loop3A_73, %parallel_loop3A_86 : i32
      %parallel_loop3A_88 = arith.constant 10000 : i32
      %parallel_loop3A_89 = arith.addi %parallel_loop3A_88, %parallel_loop3A_87 : i32
      %parallel_loop3A_90 = arith.index_cast %parallel_loop3A_89 : i32 to index
      %parallel_loop3A_91 = tpu.vector_load %arg8[%parallel_loop3A_90] {strides = array<i32>} : memref<20000xi32, #tpu.memory_space<vmem>>, vector<16xi32>,
      tpu.vector_store %arg8[%parallel_loop3A_90], %parallel_loop3A_85 {strides = array<i32>} : memref<20000xi32, #tpu.memory_space<vmem>>, vector<16xi32>,
    } {sc.loop_unroll_factor = 4 : i64, sc.parallel_access}
    %scan3A = arith.constant 0 : i32
    %scan3A_69 = arith.constant 5 : i32
    %scan3A_70 = arith.addi %scan3A, %scan3A_69 : i32
    %scan3A_71 = arith.constant 1 : i32
    scf.for %scan3A_73 = %scan3A to %scan3A_70 step %scan3A_71  : i32 {
      %mul3A_74 = arith.constant 2 : i32
      %mul3A_75 = arith.muli %scan3A_73, %mul3A_74 : i32
      %add3A_76 = arith.constant 0 : i32
      %add3A_77 = arith.addi %add3A_76, %mul3A_75 : i32
      %add3A_78 = arith.constant 0 : i32
      %add3A_79 = arith.addi %add3A_77, %add3A_78 : i32
      %dma_wait3A_80 = arith.constant 0 : i32
      %dma_wait3A_81 = tpu.memref_slice %arg4[%dma_wait3A_80] : memref<320000xi32, #tpu.memory_space<hbm>> -> memref<8000xi32, #tpu.memory_space<hbm>>
      %dma_wait3A_82 = arith.constant 0 : i32
      %dma_wait3A_83 = tpu.memref_slice %arg4[%dma_wait3A_82] : memref<320000xi32, #tpu.memory_space<hbm>> -> memref<8000xi32, #tpu.memory_space<hbm>>
      tpu.wait_dma2 semaphore(%arg15 : memref<!tpu.dma_semaphore, #tpu.memory_space<semaphore_mem>>) src(%dma_wait3A_83 : memref<8000xi32, #tpu.memory_space<hbm>>) dst(%arg11 : memref<8000xi32, #tpu.memory_space<vmem>>)
      %dma_wait3A_84 = arith.constant 0 : i32
      %dma_wait3A_85 = tpu.memref_slice %arg5[%dma_wait3A_84] : memref<320000xf32, #tpu.memory_space<hbm>> -> memref<8000xf32, #tpu.memory_space<hbm>>
      %dma_wait3A_86 = arith.constant 0 : i32
      %dma_wait3A_87 = tpu.memref_slice %arg5[%dma_wait3A_86] : memref<320000xf32, #tpu.memory_space<hbm>> -> memref<8000xf32, #tpu.memory_space<hbm>>
      tpu.wait_dma2 semaphore(%arg15 : memref<!tpu.dma_semaphore, #tpu.memory_space<semaphore_mem>>) src(%dma_wait3A_87 : memref<8000xf32, #tpu.memory_space<hbm>>) dst(%arg13 : memref<8000xf32, #tpu.memory_space<vmem>>)
      %parallel_loop3A_88 = arith.constant 0 : i32
      %parallel_loop3A_89 = arith.constant 500 : i32
      %parallel_loop3A_90 = arith.constant 1 : i32
      scf.for %parallel_loop3A_116 = %parallel_loop3A_88 to %parallel_loop3A_89 step %parallel_loop3A_90  : i32 {
        %parallel_loop3A_117 = arith.constant 16 : i32
        %parallel_loop3A_118 = arith.muli %parallel_loop3A_116, %parallel_loop3A_117 : i32
        %parallel_loop3A_119 = arith.index_cast %parallel_loop3A_118 : i32 to index
        %parallel_loop3A_120 = tpu.vector_load %arg11[%parallel_loop3A_119] {strides = array<i32>} : memref<8000xi32, #tpu.memory_space<vmem>>, vector<16xi32>,
        %parallel_loop3A_121 = arith.constant 16383 : i32
        %parallel_loop3A_122 = vector.broadcast %parallel_loop3A_121 : i32 to vector<16xi32>
        %parallel_loop3A_123 = arith.andi %parallel_loop3A_120, %parallel_loop3A_122 : vector<16xi32>
        %parallel_loop3A_124 = arith.constant 14 : i32
        %parallel_loop3A_125 = vector.broadcast %parallel_loop3A_124 : i32 to vector<16xi32>
        %parallel_loop3A_126 = arith.shrui %parallel_loop3A_120, %parallel_loop3A_125 : vector<16xi32>
        %parallel_loop3A_127 = arith.index_cast %parallel_loop3A_118 : i32 to index
        %parallel_loop3A_128 = tpu.vector_load %arg13[%parallel_loop3A_127] {strides = array<i32>} : memref<8000xf32, #tpu.memory_space<vmem>>, vector<16xf32>,
        %parallel_loop3A_129 = tpu.vector_load_idx %arg9[%parallel_loop3A_123] : memref<10000xf32, #tpu.memory_space<vmem>>[vector<16xi32>], vector<16xf32>,
        %parallel_loop3A_130 = arith.mulf %parallel_loop3A_128, %parallel_loop3A_129 : vector<16xf32>
        %parallel_loop3A_131 = arith.constant 0 : i32
        %parallel_loop3A_132 = vector.broadcast %parallel_loop3A_131 : i32 to vector<16xi32>
        %parallel_loop3A_133 = arith.addi %parallel_loop3A_126, %parallel_loop3A_132 : vector<16xi32>
        %parallel_loop3A_134 = tpu.vector_load_idx %arg8[%parallel_loop3A_133] : memref<20000xi32, #tpu.memory_space<vmem>>[vector<16xi32>], vector<16xi32>,
        %parallel_loop3A_135 = vector.bitcast %parallel_loop3A_134 : vector<16xi32> to vector<32xbf16>
        %parallel_loop3A_136 = tpu.unpack_subelements %parallel_loop3A_135, 0 {pack_format = #tpu.pack_format<interleaved>} : vector<32xbf16> -> vector<16xf32>
        %parallel_loop3A_137 = tpu.unpack_subelements %parallel_loop3A_135, 1 {pack_format = #tpu.pack_format<interleaved>} : vector<32xbf16> -> vector<16xf32>
        %parallel_loop3A_138 = arith.constant 0 : i32
        %parallel_loop3A_139 = vector.broadcast %parallel_loop3A_138 : i32 to vector<16xi32>
        %parallel_loop3A_140 = arith.addi %parallel_loop3A_123, %parallel_loop3A_139 : vector<16xi32>
        %parallel_loop3A_141 = arith.mulf %parallel_loop3A_136, %parallel_loop3A_130 : vector<16xf32>
        tpu.vector_store_idx %arg10[%parallel_loop3A_140], %parallel_loop3A_141 {add = true} : memref<40000xf32, #tpu.memory_space<vmem>>[vector<16xi32>], vector<16xf32>,
        %parallel_loop3A_142 = arith.constant 10000 : i32
        %parallel_loop3A_143 = vector.broadcast %parallel_loop3A_142 : i32 to vector<16xi32>
        %parallel_loop3A_144 = arith.addi %parallel_loop3A_123, %parallel_loop3A_143 : vector<16xi32>
        %parallel_loop3A_145 = arith.mulf %parallel_loop3A_137, %parallel_loop3A_130 : vector<16xf32>
        tpu.vector_store_idx %arg10[%parallel_loop3A_144], %parallel_loop3A_145 {add = true} : memref<40000xf32, #tpu.memory_space<vmem>>[vector<16xi32>], vector<16xf32>,
        %parallel_loop3A_146 = arith.constant 10000 : i32
        %parallel_loop3A_147 = vector.broadcast %parallel_loop3A_146 : i32 to vector<16xi32>
        %parallel_loop3A_148 = arith.addi %parallel_loop3A_126, %parallel_loop3A_147 : vector<16xi32>
        %parallel_loop3A_149 = tpu.vector_load_idx %arg8[%parallel_loop3A_148] : memref<20000xi32, #tpu.memory_space<vmem>>[vector<16xi32>], vector<16xi32>,
        %parallel_loop3A_150 = vector.bitcast %parallel_loop3A_149 : vector<16xi32> to vector<32xbf16>
        %parallel_loop3A_151 = tpu.unpack_subelements %parallel_loop3A_150, 0 {pack_format = #tpu.pack_format<interleaved>} : vector<32xbf16> -> vector<16xf32>
        %parallel_loop3A_152 = tpu.unpack_subelements %parallel_loop3A_150, 1 {pack_format = #tpu.pack_format<interleaved>} : vector<32xbf16> -> vector<16xf32>
        %parallel_loop3A_153 = arith.constant 20000 : i32
        %parallel_loop3A_154 = vector.broadcast %parallel_loop3A_153 : i32 to vector<16xi32>
        %parallel_loop3A_155 = arith.addi %parallel_loop3A_123, %parallel_loop3A_154 : vector<16xi32>
        %parallel_loop3A_156 = arith.mulf %parallel_loop3A_151, %parallel_loop3A_130 : vector<16xf32>
        tpu.vector_store_idx %arg10[%parallel_loop3A_155], %parallel_loop3A_156 {add = true} : memref<40000xf32, #tpu.memory_space<vmem>>[vector<16xi32>], vector<16xf32>,
        %parallel_loop3A_157 = arith.constant 30000 : i32
        %parallel_loop3A_158 = vector.broadcast %parallel_loop3A_157 : i32 to vector<16xi32>
        %parallel_loop3A_159 = arith.addi %parallel_loop3A_123, %parallel_loop3A_158 : vector<16xi32>
        %parallel_loop3A_160 = arith.mulf %parallel_loop3A_152, %parallel_loop3A_130 : vector<16xf32>
        tpu.vector_store_idx %arg10[%parallel_loop3A_159], %parallel_loop3A_160 {add = true} : memref<40000xf32, #tpu.memory_space<vmem>>[vector<16xi32>], vector<16xf32>,
      } {sc.loop_unroll_factor = 4 : i64, sc.parallel_access}
      %add3A_91 = arith.constant 2 : i32
      %add3A_92 = arith.addi %add3A_79, %add3A_91 : i32
      %lt3A_93 = arith.constant 10 : i32
      %lt3A_94 = arith.cmpi slt, %add3A_92, %lt3A_93 : i32
      %convert_element_type3A = arith.extui %lt3A_94 : i1 to i32
      %cond3A = arith.constant 0 : i32
      %cond3A_95 = arith.cmpi ne, %convert_element_type3A, %cond3A : i32
      scf.if %cond3A_95 {
        %add3A_116 = arith.constant 2 : i32
        %add3A_117 = arith.addi %add3A_79, %add3A_116 : i32
        %mul3A_118 = arith.constant 8000 : i32
        %mul3A_119 = arith.muli %add3A_117, %mul3A_118 : i32
        %add3A_120 = arith.addi %mul3A_32, %mul3A_119 : i32
        %dma_start3A_121 = tpu.memref_slice %arg4[%add3A_120] : memref<320000xi32, #tpu.memory_space<hbm>> -> memref<8000xi32, #tpu.memory_space<hbm>>
        %dma_start3A_122 = tpu.memref_slice %arg4[%add3A_120] : memref<320000xi32, #tpu.memory_space<hbm>> -> memref<8000xi32, #tpu.memory_space<hbm>>
        tpu.enqueue_dma source(%dma_start3A_122 : memref<8000xi32, #tpu.memory_space<hbm>>) target(%arg11 : memref<8000xi32, #tpu.memory_space<vmem>>) target_semaphore(%arg15 : memref<!tpu.dma_semaphore, #tpu.memory_space<semaphore_mem>>)
        %dma_start3A_123 = tpu.memref_slice %arg5[%add3A_120] : memref<320000xf32, #tpu.memory_space<hbm>> -> memref<8000xf32, #tpu.memory_space<hbm>>
        %dma_start3A_124 = tpu.memref_slice %arg5[%add3A_120] : memref<320000xf32, #tpu.memory_space<hbm>> -> memref<8000xf32, #tpu.memory_space<hbm>>
        tpu.enqueue_dma source(%dma_start3A_124 : memref<8000xf32, #tpu.memory_space<hbm>>) target(%arg13 : memref<8000xf32, #tpu.memory_space<vmem>>) target_semaphore(%arg15 : memref<!tpu.dma_semaphore, #tpu.memory_space<semaphore_mem>>)
      } else {
      }
      %add3A_96 = arith.constant 1 : i32
      %add3A_97 = arith.addi %add3A_77, %add3A_96 : i32
      %dma_wait3A_98 = arith.constant 0 : i32
      %dma_wait3A_99 = tpu.memref_slice %arg4[%dma_wait3A_98] : memref<320000xi32, #tpu.memory_space<hbm>> -> memref<8000xi32, #tpu.memory_space<hbm>>
      %dma_wait3A_100 = arith.constant 0 : i32
      %dma_wait3A_101 = tpu.memref_slice %arg4[%dma_wait3A_100] : memref<320000xi32, #tpu.memory_space<hbm>> -> memref<8000xi32, #tpu.memory_space<hbm>>
      tpu.wait_dma2 semaphore(%arg16 : memref<!tpu.dma_semaphore, #tpu.memory_space<semaphore_mem>>) src(%dma_wait3A_101 : memref<8000xi32, #tpu.memory_space<hbm>>) dst(%arg12 : memref<8000xi32, #tpu.memory_space<vmem>>)
      %dma_wait3A_102 = arith.constant 0 : i32
      %dma_wait3A_103 = tpu.memref_slice %arg5[%dma_wait3A_102] : memref<320000xf32, #tpu.memory_space<hbm>> -> memref<8000xf32, #tpu.memory_space<hbm>>
      %dma_wait3A_104 = arith.constant 0 : i32
      %dma_wait3A_105 = tpu.memref_slice %arg5[%dma_wait3A_104] : memref<320000xf32, #tpu.memory_space<hbm>> -> memref<8000xf32, #tpu.memory_space<hbm>>
      tpu.wait_dma2 semaphore(%arg16 : memref<!tpu.dma_semaphore, #tpu.memory_space<semaphore_mem>>) src(%dma_wait3A_105 : memref<8000xf32, #tpu.memory_space<hbm>>) dst(%arg14 : memref<8000xf32, #tpu.memory_space<vmem>>)
      %parallel_loop3A_106 = arith.constant 0 : i32
      %parallel_loop3A_107 = arith.constant 500 : i32
      %parallel_loop3A_108 = arith.constant 1 : i32
      scf.for %parallel_loop3A_116 = %parallel_loop3A_106 to %parallel_loop3A_107 step %parallel_loop3A_108  : i32 {
        %parallel_loop3A_117 = arith.constant 16 : i32
        %parallel_loop3A_118 = arith.muli %parallel_loop3A_116, %parallel_loop3A_117 : i32
        %parallel_loop3A_119 = arith.index_cast %parallel_loop3A_118 : i32 to index
        %parallel_loop3A_120 = tpu.vector_load %arg12[%parallel_loop3A_119] {strides = array<i32>} : memref<8000xi32, #tpu.memory_space<vmem>>, vector<16xi32>,
        %parallel_loop3A_121 = arith.constant 16383 : i32
        %parallel_loop3A_122 = vector.broadcast %parallel_loop3A_121 : i32 to vector<16xi32>
        %parallel_loop3A_123 = arith.andi %parallel_loop3A_120, %parallel_loop3A_122 : vector<16xi32>
        %parallel_loop3A_124 = arith.constant 14 : i32
        %parallel_loop3A_125 = vector.broadcast %parallel_loop3A_124 : i32 to vector<16xi32>
        %parallel_loop3A_126 = arith.shrui %parallel_loop3A_120, %parallel_loop3A_125 : vector<16xi32>
        %parallel_loop3A_127 = arith.index_cast %parallel_loop3A_118 : i32 to index
        %parallel_loop3A_128 = tpu.vector_load %arg14[%parallel_loop3A_127] {strides = array<i32>} : memref<8000xf32, #tpu.memory_space<vmem>>, vector<16xf32>,
        %parallel_loop3A_129 = tpu.vector_load_idx %arg9[%parallel_loop3A_123] : memref<10000xf32, #tpu.memory_space<vmem>>[vector<16xi32>], vector<16xf32>,
        %parallel_loop3A_130 = arith.mulf %parallel_loop3A_128, %parallel_loop3A_129 : vector<16xf32>
        %parallel_loop3A_131 = arith.constant 0 : i32
        %parallel_loop3A_132 = vector.broadcast %parallel_loop3A_131 : i32 to vector<16xi32>
        %parallel_loop3A_133 = arith.addi %parallel_loop3A_126, %parallel_loop3A_132 : vector<16xi32>
        %parallel_loop3A_134 = tpu.vector_load_idx %arg8[%parallel_loop3A_133] : memref<20000xi32, #tpu.memory_space<vmem>>[vector<16xi32>], vector<16xi32>,
        %parallel_loop3A_135 = vector.bitcast %parallel_loop3A_134 : vector<16xi32> to vector<32xbf16>
        %parallel_loop3A_136 = tpu.unpack_subelements %parallel_loop3A_135, 0 {pack_format = #tpu.pack_format<interleaved>} : vector<32xbf16> -> vector<16xf32>
        %parallel_loop3A_137 = tpu.unpack_subelements %parallel_loop3A_135, 1 {pack_format = #tpu.pack_format<interleaved>} : vector<32xbf16> -> vector<16xf32>
        %parallel_loop3A_138 = arith.constant 0 : i32
        %parallel_loop3A_139 = vector.broadcast %parallel_loop3A_138 : i32 to vector<16xi32>
        %parallel_loop3A_140 = arith.addi %parallel_loop3A_123, %parallel_loop3A_139 : vector<16xi32>
        %parallel_loop3A_141 = arith.mulf %parallel_loop3A_136, %parallel_loop3A_130 : vector<16xf32>
        tpu.vector_store_idx %arg10[%parallel_loop3A_140], %parallel_loop3A_141 {add = true} : memref<40000xf32, #tpu.memory_space<vmem>>[vector<16xi32>], vector<16xf32>,
        %parallel_loop3A_142 = arith.constant 10000 : i32
        %parallel_loop3A_143 = vector.broadcast %parallel_loop3A_142 : i32 to vector<16xi32>
        %parallel_loop3A_144 = arith.addi %parallel_loop3A_123, %parallel_loop3A_143 : vector<16xi32>
        %parallel_loop3A_145 = arith.mulf %parallel_loop3A_137, %parallel_loop3A_130 : vector<16xf32>
        tpu.vector_store_idx %arg10[%parallel_loop3A_144], %parallel_loop3A_145 {add = true} : memref<40000xf32, #tpu.memory_space<vmem>>[vector<16xi32>], vector<16xf32>,
        %parallel_loop3A_146 = arith.constant 10000 : i32
        %parallel_loop3A_147 = vector.broadcast %parallel_loop3A_146 : i32 to vector<16xi32>
        %parallel_loop3A_148 = arith.addi %parallel_loop3A_126, %parallel_loop3A_147 : vector<16xi32>
        %parallel_loop3A_149 = tpu.vector_load_idx %arg8[%parallel_loop3A_148] : memref<20000xi32, #tpu.memory_space<vmem>>[vector<16xi32>], vector<16xi32>,
        %parallel_loop3A_150 = vector.bitcast %parallel_loop3A_149 : vector<16xi32> to vector<32xbf16>
        %parallel_loop3A_151 = tpu.unpack_subelements %parallel_loop3A_150, 0 {pack_format = #tpu.pack_format<interleaved>} : vector<32xbf16> -> vector<16xf32>
        %parallel_loop3A_152 = tpu.unpack_subelements %parallel_loop3A_150, 1 {pack_format = #tpu.pack_format<interleaved>} : vector<32xbf16> -> vector<16xf32>
        %parallel_loop3A_153 = arith.constant 20000 : i32
        %parallel_loop3A_154 = vector.broadcast %parallel_loop3A_153 : i32 to vector<16xi32>
        %parallel_loop3A_155 = arith.addi %parallel_loop3A_123, %parallel_loop3A_154 : vector<16xi32>
        %parallel_loop3A_156 = arith.mulf %parallel_loop3A_151, %parallel_loop3A_130 : vector<16xf32>
        tpu.vector_store_idx %arg10[%parallel_loop3A_155], %parallel_loop3A_156 {add = true} : memref<40000xf32, #tpu.memory_space<vmem>>[vector<16xi32>], vector<16xf32>,
        %parallel_loop3A_157 = arith.constant 30000 : i32
        %parallel_loop3A_158 = vector.broadcast %parallel_loop3A_157 : i32 to vector<16xi32>
        %parallel_loop3A_159 = arith.addi %parallel_loop3A_123, %parallel_loop3A_158 : vector<16xi32>
        %parallel_loop3A_160 = arith.mulf %parallel_loop3A_152, %parallel_loop3A_130 : vector<16xf32>
        tpu.vector_store_idx %arg10[%parallel_loop3A_159], %parallel_loop3A_160 {add = true} : memref<40000xf32, #tpu.memory_space<vmem>>[vector<16xi32>], vector<16xf32>,
      } {sc.loop_unroll_factor = 4 : i64, sc.parallel_access}
      %add3A_109 = arith.constant 2 : i32
      %add3A_110 = arith.addi %add3A_97, %add3A_109 : i32
      %lt3A_111 = arith.constant 10 : i32
      %lt3A_112 = arith.cmpi slt, %add3A_110, %lt3A_111 : i32
      %convert_element_type3A_113 = arith.extui %lt3A_112 : i1 to i32
      %cond3A_114 = arith.constant 0 : i32
      %cond3A_115 = arith.cmpi ne, %convert_element_type3A_113, %cond3A_114 : i32
      scf.if %cond3A_115 {
        %add3A_116 = arith.constant 2 : i32
        %add3A_117 = arith.addi %add3A_97, %add3A_116 : i32
        %mul3A_118 = arith.constant 8000 : i32
        %mul3A_119 = arith.muli %add3A_117, %mul3A_118 : i32
        %add3A_120 = arith.addi %mul3A_32, %mul3A_119 : i32
        %dma_start3A_121 = tpu.memref_slice %arg4[%add3A_120] : memref<320000xi32, #tpu.memory_space<hbm>> -> memref<8000xi32, #tpu.memory_space<hbm>>
        %dma_start3A_122 = tpu.memref_slice %arg4[%add3A_120] : memref<320000xi32, #tpu.memory_space<hbm>> -> memref<8000xi32, #tpu.memory_space<hbm>>
        tpu.enqueue_dma source(%dma_start3A_122 : memref<8000xi32, #tpu.memory_space<hbm>>) target(%arg12 : memref<8000xi32, #tpu.memory_space<vmem>>) target_semaphore(%arg16 : memref<!tpu.dma_semaphore, #tpu.memory_space<semaphore_mem>>)
        %dma_start3A_123 = tpu.memref_slice %arg5[%add3A_120] : memref<320000xf32, #tpu.memory_space<hbm>> -> memref<8000xf32, #tpu.memory_space<hbm>>
        %dma_start3A_124 = tpu.memref_slice %arg5[%add3A_120] : memref<320000xf32, #tpu.memory_space<hbm>> -> memref<8000xf32, #tpu.memory_space<hbm>>
        tpu.enqueue_dma source(%dma_start3A_124 : memref<8000xf32, #tpu.memory_space<hbm>>) target(%arg14 : memref<8000xf32, #tpu.memory_space<vmem>>) target_semaphore(%arg16 : memref<!tpu.dma_semaphore, #tpu.memory_space<semaphore_mem>>)
      } else {
      }
    }
    %scan3A_72 = arith.constant 5 : i32
    "tpu.region"() ({
      %run_scoped3A = tpu.sem_alloc : memref<!tpu.dma_semaphore, #tpu.memory_space<semaphore_mem>>
      %dma_start3A_73 = arith.constant 0 : i32
      %dma_start3A_74 = tpu.memref_slice %arg6[%select_n3A_30, %select_n3A_9, %dma_start3A_73] : memref<4x8x40000xf32, #tpu.memory_space<hbm>> -> memref<1x1x40000xf32, #tpu.memory_space<hbm>>
      %dma_start3A_75 = tpu.memref_squeeze %dma_start3A_74 : memref<1x1x40000xf32, #tpu.memory_space<hbm>> -> memref<40000xf32, #tpu.memory_space<hbm>>
      %dma_start3A_76 = arith.constant 0 : i32
      %dma_start3A_77 = tpu.memref_slice %arg6[%select_n3A_30, %select_n3A_9, %dma_start3A_76] : memref<4x8x40000xf32, #tpu.memory_space<hbm>> -> memref<1x1x40000xf32, #tpu.memory_space<hbm>>
      %dma_start3A_78 = tpu.memref_squeeze %dma_start3A_77 : memref<1x1x40000xf32, #tpu.memory_space<hbm>> -> memref<40000xf32, #tpu.memory_space<hbm>>
      tpu.enqueue_dma source(%arg10 : memref<40000xf32, #tpu.memory_space<vmem>>) target(%dma_start3A_78 : memref<40000xf32, #tpu.memory_space<hbm>>) target_semaphore(%run_scoped3A : memref<!tpu.dma_semaphore, #tpu.memory_space<semaphore_mem>>)
      %dma_wait3A_79 = arith.constant 0 : i32
      %dma_wait3A_80 = tpu.memref_slice %arg6[%select_n3A_30, %select_n3A_9, %dma_wait3A_79] : memref<4x8x40000xf32, #tpu.memory_space<hbm>> -> memref<1x1x40000xf32, #tpu.memory_space<hbm>>
      %dma_wait3A_81 = tpu.memref_squeeze %dma_wait3A_80 : memref<1x1x40000xf32, #tpu.memory_space<hbm>> -> memref<40000xf32, #tpu.memory_space<hbm>>
      %dma_wait3A_82 = arith.constant 0 : i32
      %dma_wait3A_83 = tpu.memref_slice %arg6[%select_n3A_30, %select_n3A_9, %dma_wait3A_82] : memref<4x8x40000xf32, #tpu.memory_space<hbm>> -> memref<1x1x40000xf32, #tpu.memory_space<hbm>>
      %dma_wait3A_84 = tpu.memref_squeeze %dma_wait3A_83 : memref<1x1x40000xf32, #tpu.memory_space<hbm>> -> memref<40000xf32, #tpu.memory_space<hbm>>
      tpu.wait_dma2 semaphore(%run_scoped3A : memref<!tpu.dma_semaphore, #tpu.memory_space<semaphore_mem>>) src(%arg10 : memref<40000xf32, #tpu.memory_space<vmem>>) dst(%dma_wait3A_84 : memref<40000xf32, #tpu.memory_space<hbm>>)
      tpu.yield
    }) : () -> ()
    return
  }
}

module attributes {stable_mosaic.version = 14 : i64} {
  func.func @_tc_prep_body(%arg0: memref<10000x128xf32, #tpu.memory_space<vmem>>, %arg1: memref<128x32xf32, #tpu.memory_space<vmem>>, %arg2: memref<32x10000xf32, #tpu.memory_space<vmem>>, %arg3: memref<32x10000xf32, #tpu.memory_space<vmem>>, %arg4: memref<1x10000xf32, #tpu.memory_space<vmem>>) attributes {dimension_semantics = [], scalar_prefetch = 0 : i64, scratch_operands = 0 : i64, tpu.core_type = #tpu.core_type<tc>} {
    %get3A = arith.constant 0 : index
    %get3A_0 = arith.constant 0 : index
    %get3A_1 = vector.load %arg2[%get3A, %get3A_0] : memref<32x10000xf32, #tpu.memory_space<vmem>>, vector<32x10000xf32>
    %reduce_sum3A = arith.constant dense<0.000000e+00> : vector<10000xf32>
    %reduce_sum3A_2 = vector.multi_reduction <add>, %get3A_1, %reduce_sum3A [0] : vector<32x10000xf32> to vector<10000xf32>
    %broadcast_in_dim3A = vector.shape_cast %reduce_sum3A_2 : vector<10000xf32> to vector<1x10000xf32>
    %add3A = arith.constant 1.000000e+00 : f32
    %add3A_3 = vector.broadcast %add3A : f32 to vector<1x10000xf32>
    %add3A_4 = arith.addf %broadcast_in_dim3A, %add3A_3 : vector<1x10000xf32>
    %gt3A = arith.constant 0.000000e+00 : f32
    %gt3A_5 = vector.broadcast %gt3A : f32 to vector<1x10000xf32>
    %gt3A_6 = arith.cmpf ogt, %add3A_4, %gt3A_5 : vector<1x10000xf32>
    %max3A = arith.constant 9.99999996E-13 : f32
    %max3A_7 = vector.broadcast %max3A : f32 to vector<1x10000xf32>
    %max3A_8 = arith.maximumf %add3A_4, %max3A_7 : vector<1x10000xf32>
    %rsqrt3A = math.rsqrt %max3A_8 : vector<1x10000xf32>
    %jit3A = arith.constant 0.000000e+00 : f32
    %broadcast_in_dim3A_9 = vector.broadcast %jit3A : f32 to vector<1x10000xf32>
    %select_n3A = arith.select %gt3A_6, %rsqrt3A, %broadcast_in_dim3A_9 : vector<1x10000xi1>, vector<1x10000xf32>
    %get3A_10 = arith.constant 0 : index
    %get3A_11 = arith.constant 0 : index
    %get3A_12 = vector.load %arg1[%get3A_10, %get3A_11] : memref<128x32xf32, #tpu.memory_space<vmem>>, vector<128x32xf32>
    %get3A_13 = arith.constant 0 : index
    %get3A_14 = arith.constant 0 : index
    %get3A_15 = vector.load %arg0[%get3A_13, %get3A_14] : memref<10000x128xf32, #tpu.memory_space<vmem>>, vector<10000x128xf32>
    %dot_general3A = arith.constant dense<0.000000e+00> : vector<32x10000xf32>
    %dot_general3A_16 = tpu.matmul %get3A_12, %get3A_15, %dot_general3A {dimension_numbers = #tpu.dot_dimension_numbers<[0], [1], [1], [0], [0, 1, 1, 0], [], []>, transpose_lhs_hint = false} : vector<128x32xf32>, vector<10000x128xf32>, vector<32x10000xf32> -> vector<32x10000xf32>
    %mul3A = vector.broadcast %select_n3A : vector<1x10000xf32> to vector<32x10000xf32>
    %mul3A_17 = arith.mulf %dot_general3A_16, %mul3A : vector<32x10000xf32>
    %swap3A = arith.constant 0 : index
    %swap3A_18 = arith.constant 0 : index
    %swap3A_19 = vector.load %arg3[%swap3A, %swap3A_18] : memref<32x10000xf32, #tpu.memory_space<vmem>>, vector<32x10000xf32>
    tpu.vector_store %arg3[%swap3A, %swap3A_18], %mul3A_17 {strides = array<i32>} : memref<32x10000xf32, #tpu.memory_space<vmem>>, vector<32x10000xf32>,
    %swap3A_20 = arith.constant 0 : index
    %swap3A_21 = arith.constant 0 : index
    %swap3A_22 = vector.load %arg4[%swap3A_20, %swap3A_21] : memref<1x10000xf32, #tpu.memory_space<vmem>>, vector<1x10000xf32>
    tpu.vector_store %arg4[%swap3A_20, %swap3A_21], %select_n3A {strides = array<i32>} : memref<1x10000xf32, #tpu.memory_space<vmem>>, vector<1x10000xf32>,
    return
  }
}

module attributes {stable_mosaic.version = 14 : i64} {
  func.func @_tc_out_body(%arg0: memref<4x32x10000xf32, #tpu.memory_space<vmem>>, %arg1: memref<32x10000xf32, #tpu.memory_space<vmem>>, %arg2: memref<1x10000xf32, #tpu.memory_space<vmem>>, %arg3: memref<32x1xf32, #tpu.memory_space<vmem>>, %arg4: memref<32x1xf32, #tpu.memory_space<vmem>>, %arg5: memref<1x1xf32, #tpu.memory_space<vmem>>, %arg6: memref<10000x1xf32, #tpu.memory_space<vmem>>) attributes {dimension_semantics = [], scalar_prefetch = 0 : i64, scratch_operands = 0 : i64, tpu.core_type = #tpu.core_type<tc>} {
    %get3A = arith.constant 0 : index
    %get3A_0 = arith.constant 0 : index
    %get3A_1 = arith.constant 0 : index
    %get3A_2 = vector.load %arg0[%get3A, %get3A_0, %get3A_1] : memref<4x32x10000xf32, #tpu.memory_space<vmem>>, vector<4x32x10000xf32>
    %reduce_sum3A = arith.constant dense<0.000000e+00> : vector<32x10000xf32>
    %reduce_sum3A_3 = vector.multi_reduction <add>, %get3A_2, %reduce_sum3A [0] : vector<4x32x10000xf32> to vector<32x10000xf32>
    %get3A_4 = arith.constant 0 : index
    %get3A_5 = arith.constant 0 : index
    %get3A_6 = vector.load %arg2[%get3A_4, %get3A_5] : memref<1x10000xf32, #tpu.memory_space<vmem>>, vector<1x10000xf32>
    %get3A_7 = arith.constant 0 : index
    %get3A_8 = arith.constant 0 : index
    %get3A_9 = vector.load %arg1[%get3A_7, %get3A_8] : memref<32x10000xf32, #tpu.memory_space<vmem>>, vector<32x10000xf32>
    %mul3A = vector.broadcast %get3A_6 : vector<1x10000xf32> to vector<32x10000xf32>
    %mul3A_10 = arith.mulf %mul3A, %get3A_9 : vector<32x10000xf32>
    %add3A = arith.addf %reduce_sum3A_3, %mul3A_10 : vector<32x10000xf32>
    %get3A_11 = arith.constant 0 : index
    %get3A_12 = arith.constant 0 : index
    %get3A_13 = vector.load %arg3[%get3A_11, %get3A_12] : memref<32x1xf32, #tpu.memory_space<vmem>>, vector<32x1xf32>
    %add3A_14 = vector.broadcast %get3A_13 : vector<32x1xf32> to vector<32x10000xf32>
    %add3A_15 = arith.addf %add3A, %add3A_14 : vector<32x10000xf32>
    %max3A = arith.constant 0.000000e+00 : f32
    %max3A_16 = vector.broadcast %max3A : f32 to vector<32x10000xf32>
    %max3A_17 = arith.maximumf %add3A_15, %max3A_16 : vector<32x10000xf32>
    %get3A_18 = arith.constant 0 : index
    %get3A_19 = arith.constant 0 : index
    %get3A_20 = vector.load %arg4[%get3A_18, %get3A_19] : memref<32x1xf32, #tpu.memory_space<vmem>>, vector<32x1xf32>
    %dot_general3A = arith.constant dense<0.000000e+00> : vector<10000x1xf32>
    %dot_general3A_21 = tpu.matmul %max3A_17, %get3A_20, %dot_general3A {dimension_numbers = #tpu.dot_dimension_numbers<[0], [0], [1], [1], [0, 1, 1, 1], [], []>, transpose_lhs_hint = false} : vector<32x10000xf32>, vector<32x1xf32>, vector<10000x1xf32> -> vector<10000x1xf32>
    %get3A_22 = arith.constant 0 : index
    %get3A_23 = arith.constant 0 : index
    %get3A_24 = vector.load %arg5[%get3A_22, %get3A_23] : memref<1x1xf32, #tpu.memory_space<vmem>>, vector<1x1xf32>
    %add3A_25 = vector.broadcast %get3A_24 : vector<1x1xf32> to vector<10000x1xf32>
    %add3A_26 = arith.addf %dot_general3A_21, %add3A_25 : vector<10000x1xf32>
    %swap3A = arith.constant 0 : index
    %swap3A_27 = arith.constant 0 : index
    %swap3A_28 = vector.load %arg6[%swap3A, %swap3A_27] : memref<10000x1xf32, #tpu.memory_space<vmem>>, vector<10000x1xf32>
    tpu.vector_store %arg6[%swap3A, %swap3A_27], %add3A_26 {strides = array<i32>} : memref<10000x1xf32, #tpu.memory_space<vmem>>, vector<10000x1xf32>,
    return
  }
}

</mosaic_0001>

<sc_bundles>
// kernel: kernel.6.cloned.1.call-start
scs
__scs_entry_jumppad:
0x0: {  	(pc) =	sbr.rel $0x88, $3  }
0x1: {  	(tag) =	ssettag $0x0;
	lr =	simm.s32 $0x1  }
0x2: {  	[smem:$0x3F9A] =	sst lr;
	_ =	strace $0xD0000000  }
0x3: {  	_ = 	snop  }
0x4: {  	_ = 	snop  }
0x5: {  	_ = 	snop  }
0x6: {  	_ = 	snop  }
0x7: {  	_ = 	snop  }
__scs_overlays_trampoline_lowered:
0x8: {  	[smem:$0x3FA9] =	sst s0  }
0x9: {  	[smem:$0x3FAA] =	sst s1  }
0xa: {  	[smem:$0x3FAB] =	sst s2  }
0xb: {  	[smem:$0x3FAC] =	sst s3  }
0xc: {  	[smem:$0x3FAD] =	sst s4  }
0xd: {  	[smem:$0x3FAE] =	sst s5  }
0xe: {  	[smem:$0x3FAF] =	sst s6  }
0xf: {  	[smem:$0x3FB0] =	sst s7  }
0x10: {  	[smem:$0x3FB1] =	sst s8  }
0x11: {  	[smem:$0x3FB2] =	sst s9;
	s0 =	simm.s32 @!p0 $0x0  }
0x12: {  	s1 =	sld [smem:$0x3F98];
	s0 =	simm.s32 @p0 $0x1  }
0x13: {  	[smem:$0x3FB3] =	sst s0;
	s0 =	simm.s32 @!p1 $0x0  }
0x14: {  	s2 =	sld [smem:$0x3F97];
	s0 =	simm.s32 @p1 $0x1  }
0x15: {  	[smem:$0x3FB4] =	sst s0;
	s0 =	simm.s32 @!p2 $0x0  }
0x16: {  	s3 =	sld [smem:$0x3FDB];
	s0 =	simm.s32 @p2 $0x1  }
0x17: {  	s4 =	simm.s32 $0x1BF5;
	[smem:$0x3FB6] =	sst s0  }
0x18: {  	s0 =	sld [smem:$0x3F99];
	_ =	swait.ge [sflag:s4], $0x0  }
0x19: {  	s7 =	sld [smem:$0x3F9A]  }
0x1a: {  	s8 =	sadd.s32 $0xFFFFE003, lr  }
0x1b: {  	s9 =	sadd.s32 $0xFFFFFEF7, lr;
	s5 =	simm.s32 $0xFFFFFFFF;
	p2 =	slt.u32 s8, $0xFFFFF086  }
0x1c: {  	p1 =	slt.u32 s9, $0xF7A;
	s5 =	simm.s32 @!p2 $0x0  }
0x1d: {  	s5 =	simm.s32 @p1 $0x1;
	p0 =	seq.s32 s7, s2  }
0x1e: {  	s7 =	smul.u32 @!p0 $0xF7A, s2;
	p2 =	seq.s32 @!p0 s5, $0x0  }
0x1f: {  	s9 =	smul.u32 $0xF7A, s1;
	s8 =	simm.s32 @!p0 $0x1BF5;
	p2 =	por !p2, p0  }
0x20: {  	[sflag:s8] =	ssyncset.s32 @!p0 $0xFFFFF086;
	s6 =	sadd.s32 @!p0 s3, s7;
	s7 =	simm.s32 @!p0 $0x108  }
0x21: {  	s3 =	sadd.s32 s3, s9;
	s6 =	sadd.s32 @!p0 $0x88, s6;
	s7 =	simm.s32 @p2 $0x1082  }
0x22: {  	[simem:s7], [sflag:s8] =	dma.local @!p0 [hbm:s6], $0xF7A  }
0x23: {  	s9 =	sor.u32 $0xD0000000, s2;
	s6 =	simm.s32 $0x108;
	_ =	swait.ge @!p0 [sflag:s8], $0x0  }
0x24: {  	s3 =	sadd.s32 $0x88, s3;
	s6 =	simm.s32 @!p1 $0x1082;
	[sflag:s4] =	ssyncset.s32 $0xFFFFF086  }
0x25: {  	[simem:s6], [sflag:s4] =	dma.local [hbm:s3], $0xF7A  }
0x26: {  	[smem:$0x3F9A] =	sst s1;
	(tag) =	ssettag s2;
	_ =	strace s9  }
0x27: {  	s1 =	sld [smem:$0x3FAA]  }
0x28: {  	s2 =	sld [smem:$0x3FAB]  }
0x29: {  	s4 =	sld [smem:$0x3FAD]  }
0x2a: {  	p0 =	seq.s32 s5, $0x0;
	s5 =	sld [smem:$0x3FAE]  }
0x2b: {  	s6 =	sld [smem:$0x3FAF]  }
0x2c: {  	s7 =	sld [smem:$0x3FB0]  }
0x2d: {  	s3 =	simm.s32 $0x108;
	s8 =	sld [smem:$0x3FB1]  }
0x2e: {  	s3 =	simm.s32 @!p0 $0x1082;
	s9 =	sld [smem:$0x3FB2]  }
0x2f: {  	lr =	sadd.s32 s0, s3;
	s0 =	sld [smem:$0x3FA9]  }
0x30: {  	s3 =	sld [smem:$0x3FAC]  }
0x31: {  	[smem:$0x3FB5] =	sst s10  }
0x32: {  	s10 =	sld [smem:$0x3FB3];
	_ =	sdelay $0x3  }
0x33: {  	p0 =	seq.s32 s10, $0x1;
	s10 =	sld [smem:$0x3FB5];
	_ =	sdelay $0x3  }
0x34: {  	[smem:$0x3FB5] =	sst s10  }
0x35: {  	s10 =	sld [smem:$0x3FB4];
	_ =	sdelay $0x3  }
0x36: {  	p1 =	seq.s32 s10, $0x1;
	s10 =	sld [smem:$0x3FB5];
	_ =	sdelay $0x3  }
0x37: {  	[smem:$0x3FB5] =	sst s10  }
0x38: {  	s10 =	sld [smem:$0x3FB6]  }
0x39: {  	_ = 	snop;
	(pc) =	sbr.ind lr, $3  }
0x3a: {  	_ = 	snop  }
0x3b: {  	_ = 	snop  }
0x3c: {  	p2 =	seq.s32 s10, $0x1;
	s10 =	sld [smem:$0x3FB5]  }
0x3d: {  	_ =	shalt  }
0x3e: {  	_ =	shalt  }
0x3f: {  	_ =	shalt  }
0x40: {  	_ =	shalt  }
0x41: {  	_ =	shalt  }
0x42: {  	_ =	shalt  }
0x43: {  	_ =	shalt  }
0x44: {  	_ =	shalt  }
0x45: {  	_ =	shalt  }
0x46: {  	_ =	shalt  }
0x47: {  	_ =	shalt  }
0x48: {  	_ =	shalt  }
0x49: {  	_ =	shalt  }
0x4a: {  	_ =	shalt  }
0x4b: {  	_ =	shalt  }
0x4c: {  	_ =	shalt  }
0x4d: {  	_ =	shalt  }
0x4e: {  	_ =	shalt  }
0x4f: {  	_ =	shalt  }
0x50: {  	_ =	shalt  }
0x51: {  	_ =	shalt  }
0x52: {  	_ =	shalt  }
0x53: {  	_ =	shalt  }
0x54: {  	_ =	shalt  }
0x55: {  	_ =	shalt  }
0x56: {  	_ =	shalt  }
0x57: {  	_ =	shalt  }
0x58: {  	_ =	shalt  }
0x59: {  	_ =	shalt  }
0x5a: {  	_ =	shalt  }
0x5b: {  	_ =	shalt  }
0x5c: {  	_ =	shalt  }
0x5d: {  	_ =	shalt  }
0x5e: {  	_ =	shalt  }
0x5f: {  	_ =	shalt  }
0x60: {  	_ =	shalt  }
0x61: {  	_ =	shalt  }
0x62: {  	_ =	shalt  }
0x63: {  	_ =	shalt  }
0x64: {  	_ =	shalt  }
0x65: {  	_ =	shalt  }
0x66: {  	_ =	shalt  }
0x67: {  	_ =	shalt  }
0x68: {  	_ =	shalt  }
0x69: {  	_ =	shalt  }
0x6a: {  	_ =	shalt  }
0x6b: {  	_ =	shalt  }
0x6c: {  	_ =	shalt  }
0x6d: {  	_ =	shalt  }
0x6e: {  	_ =	shalt  }
0x6f: {  	_ =	shalt  }
0x70: {  	_ =	shalt  }
0x71: {  	_ =	shalt  }
0x72: {  	_ =	shalt  }
0x73: {  	_ =	shalt  }
0x74: {  	_ =	shalt  }
0x75: {  	_ =	shalt  }
0x76: {  	_ =	shalt  }
0x77: {  	_ =	shalt  }
0x78: {  	_ =	shalt  }
0x79: {  	_ =	shalt  }
0x7a: {  	_ =	shalt  }
0x7b: {  	_ =	shalt  }
0x7c: {  	_ =	shalt  }
0x7d: {  	_ =	shalt  }
0x7e: {  	_ =	shalt  }
0x7f: {  	_ =	shalt  }
0x80: {  	_ =	shalt  }
0x81: {  	_ =	shalt  }
0x82: {  	_ =	shalt  }
0x83: {  	_ =	shalt  }
0x84: {  	_ =	shalt  }
0x85: {  	_ =	shalt  }
0x86: {  	_ =	shalt  }
0x87: {  	_ =	shalt  }
.Lfunc_end0:
.L_simem_size_0:
called_computation_lowered:
.L_overlay_start_0:
0x88: {  	s2 =	sld [smem:$0x3FD9]  }
0x89: {  	s3 =	sld [smem:$0x3FFE];
	_ =	sdelay $0x1  }
0x8a: {  	s1 =	srdreg.scid  }
0x8b: {  	s0 =	sand.u32 $0x1, s1  }
0x8c: {  	s17 =	sshll.u32 s0, $0xA;
	s2 =	sadd.s32 s3, s2  }
0x8d: {  	s2 =	sadd.s32 s2, s17  }
0x8e: {  	[smem:$0x3FC1] =	sst s2  }
0x8f: {  	_ = 	snop  }
0x90: {  	s2 =	sld [smem:$0x3FC7];
	(tm) =	ssettm $0x1  }
0x91: {  	s18 =	sld [smem:$0x3FFB];
	_ =	sdelay $0x3  }
0x92: {  	_ =	strace s18  }
0x93: {  	s3 =	sld [smem:$0x3FFC];
	_ =	sdelay $0x3  }
0x94: {  	_ =	strace s3  }
0x95: {  	s3 =	sld [smem:$0x3FFD];
	_ =	sdelay $0x3  }
0x96: {  	_ =	strace s3  }
0x97: {  	_ =	strace $0x8FFFFFFF  }
0x98: {  	s19 =	sld [smem:$0x3FDB];
	_ =	sdelay $0x1  }
0x99: {  	s4 =	simm.s32 $_scs_section_size  }
0x9a: {  	s5 =	simm.s32 $_size__tile_overlayer_lowered;
	s6 =	simm.s32 $_tile_overlayer_lowered  }
0x9b: {  	s22 =	simm.s32 $0x1BFF;
	s21 =	sshll.u32 s6, $0x1;
	s3 =	sadd.s32 s4, s19  }
0x9c: {  	s7 =	simm.s32 $0x0;
	s20 =	sshll.u32 s5, $0x1;
	s5 =	sadd.s32 s21, s3  }
0x9d: {  	[timem:s7], [sflag:s22] =	dma.local [hbm:s5], s20  }
0x9e: {  	_ =	swait.ge [sflag:s22], s20  }
0x9f: {  	s4 =	ssub.s32 $0x0, s20;
	[sflag:s22] =	ssyncset.done $0x0  }
0xa0: {  	[sflag:s22] =	ssyncadd.s32 s4;
	_ =	sdelay $0x1  }
0xa1: {  	s23 =	simm.s32 $0x1B8B  }
0xa2: {  	_ =	swait.ge [sflag:s23], $0x1  }
0xa3: {  	[sflag:s23] =	ssyncset.done $0x0  }
0xa4: {  	s25 =	simm.s32 $0x1B8E;
	s24 =	sld [smem:$0x3FFE];
	[sflag:s23] =	ssyncadd.s32 $0xFFFFFFFF  }
0xa5: {  	s26 =	simm.s32 $execute0_lowered;
	[smem:$0x3FD2] =	sst s25  }
0xa6: {  	s5 =	sshll.u32 s26, $0x1;
	_ =	strace $0x80000046;
	[dreg:$0x1] =	wrdreg $0xFFFFFFFF  }
0xa7: {  	s28 =	simm.s32 $_size_execute0_lowered;
	s3 =	sadd.s32 s3, s5;
	[dreg:$0x0] =	wrdreg $0x0  }
0xa8: {  	s5 =	sshll.u32 s28, $0x1;
	[dreg:$0x2] =	wrdreg s3  }
0xa9: {  	[dreg:$0x3] =	wrdreg s5  }
0xaa: {  	[dreg:$0x4] =	wrdreg $0xC0  }
0xab: {  	_ =	task [dreg:s7], $0x5FFFF  }
0xac: {  	[dreg:$0x1] =	wrdreg $0xFFFFFFFF  }
0xad: {  	[dreg:$0x0] =	wrdreg $0x60  }
0xae: {  	[dreg:$0x2] =	wrdreg s24  }
0xaf: {  	[dreg:$0x3] =	wrdreg s2  }
0xb0: {  	[dreg:$0x4] =	wrdreg $0x9  }
0xb1: {  	_ =	task.clear_ibuf [dreg:s7], $0x5FFFF;
	_ =	strace $0x90000046  }
0xb2: {  	s29 =	simm.s32 $0x9;
	_ =	strace $0x80000048  }
0xb3: {  	_ =	swait.ge [sflag:s29], $0x1  }
0xb4: {  	[sflag:s29] =	ssyncadd.s32 $0xFFFFFFFF  }
0xb5: {  	_ =	strace $0x90000048  }
0xb6: {  	_ =	sfence  }
0xb7: {  	s30 =	sld [smem:$0x0];
	_ =	sdelay $0x2  }
0xb8: {  	s31 =	sshll.u32 s1, $0xD;
	s1 =	sshrl.u32 s1, $0x2  }
0xb9: {  	s3 =	sand.u32 $0x4000, s31;
	s1 =	sadd.s32 s1, s30  }
0xba: {  	s0 =	sor.u32 s3, s0;
	s1 =	sshll.u32 s1, $0x11  }
0xbb: {  	s0 =	sor.u32 s1, s0  }
0xbc: {  	s0 =	sadd.s32 $0x8F2B, s0  }
0xbd: {  	[sflag:s0] =	ssyncadd.remote.s32 $0x1  }
0xbe: {  	_ =	sfence.sel $0xFFFF  }
0xbf: {  	[dreg:$0x0] =	wrdreg $0xFFFFFFFF;
	(pc) =	sbr.abs _section_cstart, $3  }
0xc0: {  	[dreg:$0x1] =	wrdreg $0xFFFFFFFF  }
0xc1: {  	_ =	task.clear_ibuf [dreg:s7], $0x2FFFF;
	_ =	strace $0x9FFFFFFF  }
0xc2: {  	(tm) =	ssettm $0x7FFFFFFF  }
0xc3: {  	_ =	shalt  }
tec
execute0_lowered:
.L_overlay_start_1:
0x0: {  	(tag) =	ssettag $0x1  }
0x1: {  	s3 =	rddreg [dreg:$0x0];
	s1 =	srdreg.scid  }
0x2: {  	s0 =	stileid.u32;
	s5 =	rddreg [dreg:$0x1];
	s10 =	simm.s32 $0x2780  }
0x3: {  	s11 =	simm.s32 $0x4F00;
	s12 =	simm.s32 $0x7680;
	s13 =	simm.s32 $0x80  }
0x4: {  	s14 =	simm.s32 $0x400;
	s15 =	simm.s32 $0x9E00;
	s16 =	simm.s32 $0x0  }
0x5: {  	s4 =	sand.u32 $0x1, s1;
	s2 =	sshll.u32 s0, $0x1;
	s1 =	rddreg [dreg:$0x2]  }
0x6: {  	s7 =	sshrl.u32 s0, $0x2;
	s6 =	sor.u32 s4, s2;
	s2 =	simm.s32 $0x0  }
0x7: {  	s7 =	smul.u32 $0x13C00, s7;
	s4 =	ssub.s32 $0x2, s4;
	s8 =	sshll.u32 s6, $0x7  }
0x8: {  	[smem:$0x7FF] =	sst s2;
	s6 =	smul.u32 $0x2710, s6;
	s31 =	sshrl.u32 s4, $0x1  }
0x9: {  	s8 =	sand.u32 $0x380, s8;
	_ =	strace $0x80000047;
	s9 =	ssub.s32 s4, s31  }
0xa: {  	s7 =	sor.u32 s7, s8;
	s6 =	sshrl.u32 s6, $0x3;
	s8 =	smax.u32 s9, $0x1  }
0xb: {  	s9 =	simm.s32 $0x1;
	s7 =	sshrl.u32 s7, $0x3;
	s30 =	sadd.s32 s6, s3  }
0xc: {  	s5 =	sadd.s32 s5, s6;
	s7 =	sadd.s32 s7, s3;
	s3 =	sadd.s32 $0x1A00, s30  }
0xd: {  	v0 =	vimm.f32 $0.0e+00;
	s4 =	sadd.s32 $0xB640, s30;
	s6 =	sadd.s32 $0x15400, s7;
	s7 =	sadd.s32 $0x1F200, s30  }
.LBB2_1:
0xe: {  	[tilespmem:s2], [sflag:$0x1] =	stream.linear.gather [hbm4b:s3+s2], $0x2710, $0x38;
	[tilespmem:$0xC580] =	vst v63  }
0xf: {  	_ =	swait.ge [sflag:s9], $0x2710  }
0x10: {  	[sflag:s9] =	ssyncset.done $0x0  }
0x11: {  	[sflag:s9] =	ssyncadd.s32 $0xFFFFD8F0  }
0x12: {  	[tilespmem:s10], [sflag:$0x1] =	stream.linear.gather [hbm4b:s4+s2], $0x2710, $0x38;
	[tilespmem:$0xC580] =	vst v63  }
0x13: {  	_ =	swait.ge [sflag:s9], $0x2710  }
0x14: {  	[sflag:s9] =	ssyncset.done $0x0  }
0x15: {  	[sflag:s9] =	ssyncadd.s32 $0xFFFFD8F0  }
0x16: {  	[tilespmem:s11], [sflag:$0x1] =	stream.linear.gather [hbm4b:s5+s2], $0x2710, $0x38;
	[tilespmem:$0xC580] =	vst v63  }
0x17: {  	_ =	swait.ge [sflag:s9], $0x2710  }
0x18: {  	[sflag:s9] =	ssyncset.done $0x0  }
0x19: {  	s17 =	simm.s32 $0x76C0;
	[sflag:s9] =	ssyncadd.s32 $0xFFFFD8F0  }
0x1a: {  	[tilespmem:s17+$0xFFFFFFC0] =	vst v0  }
0x1b: {  	[tilespmem:s17+$0x30] =	vst v0  }
0x1c: {  	[tilespmem:s17+$0x20] =	vst v0  }
0x1d: {  	[tilespmem:s17+$0x10] =	vst v0  }
0x1e: {  	[tilespmem:s17+$0x0] =	vst v0  }
0x1f: {  	[tilespmem:s17+$0xFFFFFFF0] =	vst v0  }
0x20: {  	s18 =	simm.s32 $0x0;
	[tilespmem:s17+$0xFFFFFFE0] =	vst v0  }
.LBB2_2:
0x21: {  	s18 =	sadd.s32 $0x8, s18;
	[tilespmem:s17+$0xFFFFFFD0] =	vst v0;
	s17 =	sadd.s32 $0x80, s17  }
0x22: {  	[tilespmem:s17+$0xFFFFFFC0] =	vst v0;
	p0 =	slt.u32 s18, $0x268  }
0x23: {  	[tilespmem:s17+$0x30] =	vst v0  }
.Ltmp0:
0x24: {  	[tilespmem:s17+$0x20] =	vst v0;
	(pc) =	sbr.rel @p0 .LBB2_2-.Ltmp0, $4  }
0x25: {  	[tilespmem:s17+$0x10] =	vst v0  }
0x26: {  	[tilespmem:s17+$0x0] =	vst v0  }
0x27: {  	[tilespmem:s17+$0xFFFFFFF0] =	vst v0  }
0x28: {  	[tilespmem:s17+$0xFFFFFFE0] =	vst v0  }
0x29: {  	[tilespmem:s17+$0xFFFFFFD0] =	vst v0  }
0x2a: {  	s30 =	simm.s32 $0x27A0;
	[tilespmem:$0x9D80] =	vst v0  }
0x2b: {  	v5 =	vld [tilespmem:s30+$0x10]  }
0x2c: {  	s18 =	simm.s32 $0x4F20;
	v6 =	vld [tilespmem:s30+$0xFFFFFFF0]  }
0x2d: {  	v2 =	vld [tilespmem:s18+$0x10]  }
0x2e: {  	v7 =	vld [tilespmem:s30+$0xFFFFFFE0]  }
0x2f: {  	v1 =	vld [tilespmem:s30+$0x0]  }
0x30: {  	v3 =	vld [tilespmem:s18+$0xFFFFFFF0]  }
0x31: {  	v4 =	vld [tilespmem:s18+$0xFFFFFFE0]  }
0x32: {  	s31 =	simm.s32 $0x27E0;
	v8 =	vld [tilespmem:s18+$0x0]  }
0x33: {  	s17 =	simm.s32 $0x4F60;
	v10 =	vld [tilespmem:s31+$0x10]  }
0x34: {  	v12 =	vld [tilespmem:s17+$0x10]  }
0x35: {  	v13 =	vld [tilespmem:s17+$0xFFFFFFE0]  }
0x36: {  	v14 =	vld [tilespmem:s17+$0xFFFFFFF0]  }
0x37: {  	v63 =	vld [tilespmem:s17+$0x0]  }
0x38: {  	[tilespmem:v5+s12+$0x0] =	vst.idx.add.f32.msk $0xffff, v2  }
0x39: {  	[tilespmem:v6+s12+$0x0] =	vst.idx.add.f32.msk $0xffff, v3  }
0x3a: {  	[tilespmem:v7+s12+$0x0] =	vst.idx.add.f32.msk $0xffff, v4  }
0x3b: {  	[tilespmem:v1+s12+$0x0] =	vst.idx.add.f32.msk $0xffff, v8  }
0x3c: {  	s20 =	simm.s32 $0x20;
	v2 =	vld [tilespmem:s31+$0xFFFFFFF0]  }
0x3d: {  	v9 =	vld [tilespmem:s20+$0x10]  }
0x3e: {  	v4 =	vld [tilespmem:s31+$0xFFFFFFE0]  }
0x3f: {  	v3 =	vld [tilespmem:s31+$0x0]  }
0x40: {  	[tilespmem:v10+s12+$0x0] =	vst.idx.add.f32.msk $0xffff, v12  }
0x41: {  	v8 =	vld [tilespmem:s20+$0xFFFFFFE0]  }
0x42: {  	s19 =	simm.s32 $0x60;
	v11 =	vld [tilespmem:s20+$0xFFFFFFF0];
	v9 =	vshll.u32 v9, $0xE  }
0x43: {  	s18 =	simm.s32 $0x9E20;
	v5 =	vor.u32 v5, v9;
	v9 =	vld [tilespmem:s19+$0x10]  }
0x44: {  	v15 =	vld [tilespmem:s20+$0x0];
	[tilespmem:s18+$0x10] =	vst v5  }
0x45: {  	[tilespmem:v2+s12+$0x0] =	vst.idx.add.f32.msk $0xffff, v14  }
0x46: {  	[tilespmem:v4+s12+$0x0] =	vst.idx.add.f32.msk $0xffff, v13;
	v5 =	vshll.u32 v8, $0xE  }
0x47: {  	[tilespmem:v3+s12+$0x0] =	vst.idx.add.f32.msk $0xffff, v63;
	v5 =	vor.u32 v7, v5;
	v7 =	vshll.u32 v11, $0xE  }
0x48: {  	s21 =	simm.s32 $0x4;
	[tilespmem:s18+$0xFFFFFFE0] =	vst v5;
	v5 =	vor.u32 v6, v7;
	v6 =	vld [tilespmem:s19+$0xFFFFFFE0];
	v7 =	vshll.u32 v9, $0xE  }
0x49: {  	s22 =	simm.s32 $0x2820;
	s23 =	simm.s32 $0x60;
	s20 =	simm.s32 $0x9E60;
	v8 =	vshll.u32 v15, $0xE;
	[tilespmem:s18+$0xFFFFFFF0] =	vst v5;
	v5 =	vld [tilespmem:s19+$0xFFFFFFF0];
	v7 =	vor.u32 v10, v7  }
.LBB2_4:
0x4a: {  	v9 =	vld [tilespmem:s22+$0x10];
	s21 =	sadd.s32 $0x4, s21;
	[tilespmem:s20+$0x10] =	vst v7;
	v7 =	vor.u32 v1, v8;
	v1 =	vmov v3  }
0x4b: {  	v8 =	vld [tilespmem:s22+$0xFFFFFFF0];
	p0 =	slt.u32 s21, $0x26C;
	[tilespmem:s18+$0x0] =	vst v7;
	s18 =	smov.u32 s20  }
0x4c: {  	s17 =	sadd.s32 $0x40, s17;
	v3 =	vld [tilespmem:s22+$0x0]  }
0x4d: {  	v7 =	vld [tilespmem:s17+$0x10];
	v6 =	vshll.u32 v6, $0xE  }
0x4e: {  	v6 =	vor.u32 v4, v6;
	v4 =	vld [tilespmem:s22+$0xFFFFFFE0];
	v5 =	vshll.u32 v5, $0xE  }
0x4f: {  	v10 =	vld [tilespmem:s17+$0xFFFFFFE0];
	[tilespmem:s20+$0xFFFFFFE0] =	vst v6;
	v6 =	vor.u32 v2, v5  }
0x50: {  	v5 =	vld [tilespmem:s17+$0xFFFFFFF0];
	[tilespmem:s20+$0xFFFFFFF0] =	vst v6;
	v2 =	vmov v8  }
0x51: {  	v6 =	vld [tilespmem:s17+$0x0]  }
0x52: {  	s19 =	sadd.s32 $0x40, s19;
	[tilespmem:v9+s12+$0x0] =	vst.idx.add.f32.msk $0xffff, v7  }
0x53: {  	v7 =	vld [tilespmem:s19+$0x10]  }
0x54: {  	v8 =	vld [tilespmem:s23+$0x0];
	s23 =	smov.u32 s19  }
.Ltmp1:
0x55: {  	[tilespmem:v2+s12+$0x0] =	vst.idx.add.f32.msk $0xffff, v5;
	(pc) =	sbr.rel @p0 .LBB2_4-.Ltmp1, $4  }
0x56: {  	[tilespmem:v4+s12+$0x0] =	vst.idx.add.f32.msk $0xffff, v10  }
0x57: {  	[tilespmem:v3+s12+$0x0] =	vst.idx.add.f32.msk $0xffff, v6  }
0x58: {  	v6 =	vld [tilespmem:s19+$0xFFFFFFE0];
	v7 =	vshll.u32 v7, $0xE  }
0x59: {  	s22 =	sadd.s32 $0x40, s22;
	s20 =	sadd.s32 $0x40, s20;
	v5 =	vld [tilespmem:s19+$0xFFFFFFF0];
	v7 =	vor.u32 v9, v7;
	v8 =	vshll.u32 v8, $0xE  }
0x5a: {  	v9 =	vld [tilespmem:s23+$0x0];
	_ =	sdelay $0x2  }
0x5b: {  	[tilespmem:s20+$0x10] =	vst v7;
	v1 =	vor.u32 v1, v8;
	v6 =	vshll.u32 v6, $0xE  }
0x5c: {  	[tilespmem:s18+$0x0] =	vst v1;
	v1 =	vor.u32 v4, v6;
	v63 =	vshll.u32 v5, $0xE  }
0x5d: {  	[tilespmem:s20+$0xFFFFFFE0] =	vst v1;
	v1 =	vor.u32 v2, v63;
	v2 =	vshll.u32 v9, $0xE  }
0x5e: {  	[tilespmem:s20+$0xFFFFFFF0] =	vst v1;
	v1 =	vor.u32 v3, v2  }
0x5f: {  	[tilespmem:s20+$0x0] =	vst v1  }
0x60: {  	v1 =	vld [tilespmem:$0x4E80];
	_ =	sdelay $0x2  }
0x61: {  	v2 =	vld [tilespmem:$0x7600];
	_ =	sdelay $0x4  }
0x62: {  	[tilespmem:v1+s12+$0x0] =	vst.idx.add.f32.msk $0xffff, v2  }
0x63: {  	v2 =	vld [tilespmem:$0x2700];
	_ =	sdelay $0x4  }
0x64: {  	v2 =	vshll.u32 v2, $0xE  }
0x65: {  	v1 =	vor.u32 v1, v2  }
0x66: {  	[tilespmem:$0xC500] =	vst v1  }
0x67: {  	[hbm4b:s6+s13] =	stream.strided.scatter [tilespmem:s12], [sflag:$0x1], $0x2780, s14, s13, $0x38;
	[tilespmem:$0xC580] =	vst v63  }
0x68: {  	s16 =	sadd.s32 $0x1, s16;
	_ =	swait.ge [sflag:s9], $0x2780  }
0x69: {  	p0 =	sne.s32 s16, s8;
	[sflag:s9] =	ssyncset.done $0x0  }
.Ltmp2:
0x6a: {  	[sflag:s9] =	ssyncadd.s32 $0xFFFFD880;
	(pc) =	sbr.rel @p0 .LBB2_1-.Ltmp2, $4  }
0x6b: {  	[hbm4b:s7+s2] =	stream.linear.scatter [tilespmem:s15], [sflag:$0x1], $0x2710, $0x38;
	[tilespmem:$0xC580] =	vst v63  }
0x6c: {  	_ =	swait.ge [sflag:s9], $0x2710  }
0x6d: {  	[sflag:s9] =	ssyncset.done $0x0  }
0x6e: {  	[sflag:s9] =	ssyncadd.s32 $0xFFFFD8F0  }
0x6f: {  	_ =	sfence.sel $0x180000  }
0x70: {  	[bflag:$0x0] =	sbarrier.arrive $0xFFFF  }
0x71: {  	p0 =	sne.s32 s0, $0x0;
	_ =	strace $0x90000047  }
0x72: {  	s0 =	sadd.s32 @!p0 $0x100000, s1;
	[bflag:$0x2] =	sbarrier.arrive $0xFFFF  }
0x73: {  	[sflag:s0] =	ssyncadd.tile.s32 @!p0 $0x1;
	_ =	shalt  }
.Lfunc_end2:
_tile_overlayer_lowered:
.L_overlay_start_2:
0x74: {  	(tag) =	ssettag $0x2  }
0x75: {  	s0 =	rddreg [dreg:$0x0];
	s2 =	stileid.u32  }
0x76: {  	s1 =	rddreg [dreg:$0x1];
	p0 =	sne.s32 s2, $0x0  }
0x77: {  	s3 =	rddreg [dreg:$0x2];
	[bflag:$0x3] =	sbarrier.arrive $0xFFFF;
	s2 =	simm.s32 @!p0 $0x1C01  }
0x78: {  	[timem:s3], [sflag:s2] =	dma.local @!p0 [hbm:s0], s1  }
0x79: {  	s0 =	simm.s32 @!p0 $0x1  }
0x7a: {  	_ =	swait.ge @!p0 [sflag:s0], s1  }
0x7b: {  	s1 =	ssub.s32 @!p0 $0x0, s1;
	[sflag:s0] =	ssyncset.done @!p0 $0x0  }
0x7c: {  	[sflag:s0] =	ssyncadd.s32 @!p0 s1  }
0x7d: {  	[bflag:$0x3] =	sbarrier.arrive $0xFFFF  }
0x7e: {  	_ =	shalt  }

// kernel: kernel.9.cloned.1.call-start
scs
__scs_entry_jumppad:
0x0: {  	(pc) =	sbr.rel $0x88, $3  }
0x1: {  	(tag) =	ssettag $0x0;
	lr =	simm.s32 $0x1  }
0x2: {  	[smem:$0x3F9A] =	sst lr;
	_ =	strace $0xD0000000  }
0x3: {  	_ = 	snop  }
0x4: {  	_ = 	snop  }
0x5: {  	_ = 	snop  }
0x6: {  	_ = 	snop  }
0x7: {  	_ = 	snop  }
__scs_overlays_trampoline_lowered:
0x8: {  	[smem:$0x3FA9] =	sst s0  }
0x9: {  	[smem:$0x3FAA] =	sst s1  }
0xa: {  	[smem:$0x3FAB] =	sst s2  }
0xb: {  	[smem:$0x3FAC] =	sst s3  }
0xc: {  	[smem:$0x3FAD] =	sst s4  }
0xd: {  	[smem:$0x3FAE] =	sst s5  }
0xe: {  	[smem:$0x3FAF] =	sst s6  }
0xf: {  	[smem:$0x3FB0] =	sst s7  }
0x10: {  	[smem:$0x3FB1] =	sst s8  }
0x11: {  	[smem:$0x3FB2] =	sst s9;
	s0 =	simm.s32 @!p0 $0x0  }
0x12: {  	s1 =	sld [smem:$0x3F98];
	s0 =	simm.s32 @p0 $0x1  }
0x13: {  	[smem:$0x3FB3] =	sst s0;
	s0 =	simm.s32 @!p1 $0x0  }
0x14: {  	s2 =	sld [smem:$0x3F97];
	s0 =	simm.s32 @p1 $0x1  }
0x15: {  	[smem:$0x3FB4] =	sst s0;
	s0 =	simm.s32 @!p2 $0x0  }
0x16: {  	s3 =	sld [smem:$0x3FDB];
	s0 =	simm.s32 @p2 $0x1  }
0x17: {  	s4 =	simm.s32 $0x1BF5;
	[smem:$0x3FB6] =	sst s0  }
0x18: {  	s0 =	sld [smem:$0x3F99];
	_ =	swait.ge [sflag:s4], $0x0  }
0x19: {  	s7 =	sld [smem:$0x3F9A]  }
0x1a: {  	s8 =	sadd.s32 $0xFFFFE003, lr  }
0x1b: {  	s9 =	sadd.s32 $0xFFFFFEF7, lr;
	s5 =	simm.s32 $0xFFFFFFFF;
	p2 =	slt.u32 s8, $0xFFFFF086  }
0x1c: {  	p1 =	slt.u32 s9, $0xF7A;
	s5 =	simm.s32 @!p2 $0x0  }
0x1d: {  	s5 =	simm.s32 @p1 $0x1;
	p0 =	seq.s32 s7, s2  }
0x1e: {  	s7 =	smul.u32 @!p0 $0xF7A, s2;
	p2 =	seq.s32 @!p0 s5, $0x0  }
0x1f: {  	s9 =	smul.u32 $0xF7A, s1;
	s8 =	simm.s32 @!p0 $0x1BF5;
	p2 =	por !p2, p0  }
0x20: {  	[sflag:s8] =	ssyncset.s32 @!p0 $0xFFFFF086;
	s6 =	sadd.s32 @!p0 s3, s7;
	s7 =	simm.s32 @!p0 $0x108  }
0x21: {  	s3 =	sadd.s32 s3, s9;
	s6 =	sadd.s32 @!p0 $0x88, s6;
	s7 =	simm.s32 @p2 $0x1082  }
0x22: {  	[simem:s7], [sflag:s8] =	dma.local @!p0 [hbm:s6], $0xF7A  }
0x23: {  	s9 =	sor.u32 $0xD0000000, s2;
	s6 =	simm.s32 $0x108;
	_ =	swait.ge @!p0 [sflag:s8], $0x0  }
0x24: {  	s3 =	sadd.s32 $0x88, s3;
	s6 =	simm.s32 @!p1 $0x1082;
	[sflag:s4] =	ssyncset.s32 $0xFFFFF086  }
0x25: {  	[simem:s6], [sflag:s4] =	dma.local [hbm:s3], $0xF7A  }
0x26: {  	[smem:$0x3F9A] =	sst s1;
	(tag) =	ssettag s2;
	_ =	strace s9  }
0x27: {  	s1 =	sld [smem:$0x3FAA]  }
0x28: {  	s2 =	sld [smem:$0x3FAB]  }
0x29: {  	s4 =	sld [smem:$0x3FAD]  }
0x2a: {  	p0 =	seq.s32 s5, $0x0;
	s5 =	sld [smem:$0x3FAE]  }
0x2b: {  	s6 =	sld [smem:$0x3FAF]  }
0x2c: {  	s7 =	sld [smem:$0x3FB0]  }
0x2d: {  	s3 =	simm.s32 $0x108;
	s8 =	sld [smem:$0x3FB1]  }
0x2e: {  	s3 =	simm.s32 @!p0 $0x1082;
	s9 =	sld [smem:$0x3FB2]  }
0x2f: {  	lr =	sadd.s32 s0, s3;
	s0 =	sld [smem:$0x3FA9]  }
0x30: {  	s3 =	sld [smem:$0x3FAC]  }
0x31: {  	[smem:$0x3FB5] =	sst s10  }
0x32: {  	s10 =	sld [smem:$0x3FB3];
	_ =	sdelay $0x3  }
0x33: {  	p0 =	seq.s32 s10, $0x1;
	s10 =	sld [smem:$0x3FB5];
	_ =	sdelay $0x3  }
0x34: {  	[smem:$0x3FB5] =	sst s10  }
0x35: {  	s10 =	sld [smem:$0x3FB4];
	_ =	sdelay $0x3  }
0x36: {  	p1 =	seq.s32 s10, $0x1;
	s10 =	sld [smem:$0x3FB5];
	_ =	sdelay $0x3  }
0x37: {  	[smem:$0x3FB5] =	sst s10  }
0x38: {  	s10 =	sld [smem:$0x3FB6]  }
0x39: {  	_ = 	snop;
	(pc) =	sbr.ind lr, $3  }
0x3a: {  	_ = 	snop  }
0x3b: {  	_ = 	snop  }
0x3c: {  	p2 =	seq.s32 s10, $0x1;
	s10 =	sld [smem:$0x3FB5]  }
0x3d: {  	_ =	shalt  }
0x3e: {  	_ =	shalt  }
0x3f: {  	_ =	shalt  }
0x40: {  	_ =	shalt  }
0x41: {  	_ =	shalt  }
0x42: {  	_ =	shalt  }
0x43: {  	_ =	shalt  }
0x44: {  	_ =	shalt  }
0x45: {  	_ =	shalt  }
0x46: {  	_ =	shalt  }
0x47: {  	_ =	shalt  }
0x48: {  	_ =	shalt  }
0x49: {  	_ =	shalt  }
0x4a: {  	_ =	shalt  }
0x4b: {  	_ =	shalt  }
0x4c: {  	_ =	shalt  }
0x4d: {  	_ =	shalt  }
0x4e: {  	_ =	shalt  }
0x4f: {  	_ =	shalt  }
0x50: {  	_ =	shalt  }
0x51: {  	_ =	shalt  }
0x52: {  	_ =	shalt  }
0x53: {  	_ =	shalt  }
0x54: {  	_ =	shalt  }
0x55: {  	_ =	shalt  }
0x56: {  	_ =	shalt  }
0x57: {  	_ =	shalt  }
0x58: {  	_ =	shalt  }
0x59: {  	_ =	shalt  }
0x5a: {  	_ =	shalt  }
0x5b: {  	_ =	shalt  }
0x5c: {  	_ =	shalt  }
0x5d: {  	_ =	shalt  }
0x5e: {  	_ =	shalt  }
0x5f: {  	_ =	shalt  }
0x60: {  	_ =	shalt  }
0x61: {  	_ =	shalt  }
0x62: {  	_ =	shalt  }
0x63: {  	_ =	shalt  }
0x64: {  	_ =	shalt  }
0x65: {  	_ =	shalt  }
0x66: {  	_ =	shalt  }
0x67: {  	_ =	shalt  }
0x68: {  	_ =	shalt  }
0x69: {  	_ =	shalt  }
0x6a: {  	_ =	shalt  }
0x6b: {  	_ =	shalt  }
0x6c: {  	_ =	shalt  }
0x6d: {  	_ =	shalt  }
0x6e: {  	_ =	shalt  }
0x6f: {  	_ =	shalt  }
0x70: {  	_ =	shalt  }
0x71: {  	_ =	shalt  }
0x72: {  	_ =	shalt  }
0x73: {  	_ =	shalt  }
0x74: {  	_ =	shalt  }
0x75: {  	_ =	shalt  }
0x76: {  	_ =	shalt  }
0x77: {  	_ =	shalt  }
0x78: {  	_ =	shalt  }
0x79: {  	_ =	shalt  }
0x7a: {  	_ =	shalt  }
0x7b: {  	_ =	shalt  }
0x7c: {  	_ =	shalt  }
0x7d: {  	_ =	shalt  }
0x7e: {  	_ =	shalt  }
0x7f: {  	_ =	shalt  }
0x80: {  	_ =	shalt  }
0x81: {  	_ =	shalt  }
0x82: {  	_ =	shalt  }
0x83: {  	_ =	shalt  }
0x84: {  	_ =	shalt  }
0x85: {  	_ =	shalt  }
0x86: {  	_ =	shalt  }
0x87: {  	_ =	shalt  }
.Lfunc_end0:
.L_simem_size_0:
called_computation.1_lowered:
.L_overlay_start_0:
0x88: {  	s2 =	sld [smem:$0x3FD9]  }
0x89: {  	s3 =	sld [smem:$0x3FFE];
	_ =	sdelay $0x1  }
0x8a: {  	s1 =	srdreg.scid  }
0x8b: {  	s0 =	sand.u32 $0x1, s1  }
0x8c: {  	s17 =	sshll.u32 s0, $0xA;
	s2 =	sadd.s32 s3, s2  }
0x8d: {  	s2 =	sadd.s32 s2, s17  }
0x8e: {  	[smem:$0x3FC1] =	sst s2  }
0x8f: {  	_ = 	snop  }
0x90: {  	s2 =	sld [smem:$0x3FC7];
	(tm) =	ssettm $0x1  }
0x91: {  	s18 =	sld [smem:$0x3FFB];
	_ =	sdelay $0x3  }
0x92: {  	_ =	strace s18  }
0x93: {  	s3 =	sld [smem:$0x3FFC];
	_ =	sdelay $0x3  }
0x94: {  	_ =	strace s3  }
0x95: {  	s3 =	sld [smem:$0x3FFD];
	_ =	sdelay $0x3  }
0x96: {  	_ =	strace s3  }
0x97: {  	_ =	strace $0x8FFFFFFF  }
0x98: {  	s19 =	sld [smem:$0x3FDB];
	_ =	sdelay $0x1  }
0x99: {  	s4 =	simm.s32 $_scs_section_size  }
0x9a: {  	s5 =	simm.s32 $_size__tile_overlayer_lowered;
	s6 =	simm.s32 $_tile_overlayer_lowered  }
0x9b: {  	s22 =	simm.s32 $0x1BFF;
	s21 =	sshll.u32 s6, $0x1;
	s3 =	sadd.s32 s4, s19  }
0x9c: {  	s7 =	simm.s32 $0x0;
	s20 =	sshll.u32 s5, $0x1;
	s5 =	sadd.s32 s21, s3  }
0x9d: {  	[timem:s7], [sflag:s22] =	dma.local [hbm:s5], s20  }
0x9e: {  	_ =	swait.ge [sflag:s22], s20  }
0x9f: {  	s4 =	ssub.s32 $0x0, s20;
	[sflag:s22] =	ssyncset.done $0x0  }
0xa0: {  	[sflag:s22] =	ssyncadd.s32 s4;
	_ =	sdelay $0x1  }
0xa1: {  	s23 =	simm.s32 $0x1B8B  }
0xa2: {  	_ =	swait.ge [sflag:s23], $0x1  }
0xa3: {  	[sflag:s23] =	ssyncset.done $0x0  }
0xa4: {  	s25 =	simm.s32 $0x1B8E;
	s24 =	sld [smem:$0x3FFE];
	[sflag:s23] =	ssyncadd.s32 $0xFFFFFFFF  }
0xa5: {  	s26 =	simm.s32 $execute0_lowered;
	[smem:$0x3FD2] =	sst s25  }
0xa6: {  	s5 =	sshll.u32 s26, $0x1;
	_ =	strace $0x80000049;
	[dreg:$0x1] =	wrdreg $0xFFFFFFFF  }
0xa7: {  	s28 =	simm.s32 $_size_execute0_lowered;
	s3 =	sadd.s32 s3, s5;
	[dreg:$0x0] =	wrdreg $0x0  }
0xa8: {  	s5 =	sshll.u32 s28, $0x1;
	[dreg:$0x2] =	wrdreg s3  }
0xa9: {  	[dreg:$0x3] =	wrdreg s5  }
0xaa: {  	[dreg:$0x4] =	wrdreg $0xC0  }
0xab: {  	_ =	task [dreg:s7], $0x5FFFF  }
0xac: {  	[dreg:$0x1] =	wrdreg $0xFFFFFFFF  }
0xad: {  	[dreg:$0x0] =	wrdreg $0x60  }
0xae: {  	[dreg:$0x2] =	wrdreg s24  }
0xaf: {  	[dreg:$0x3] =	wrdreg s2  }
0xb0: {  	[dreg:$0x4] =	wrdreg $0x9  }
0xb1: {  	_ =	task.clear_ibuf [dreg:s7], $0x5FFFF;
	_ =	strace $0x90000049  }
0xb2: {  	s29 =	simm.s32 $0x9;
	_ =	strace $0x8000004B  }
0xb3: {  	_ =	swait.ge [sflag:s29], $0x1  }
0xb4: {  	[sflag:s29] =	ssyncadd.s32 $0xFFFFFFFF  }
0xb5: {  	_ =	strace $0x9000004B  }
0xb6: {  	_ =	sfence  }
0xb7: {  	s30 =	sld [smem:$0x0];
	_ =	sdelay $0x2  }
0xb8: {  	s31 =	sshll.u32 s1, $0xD;
	s1 =	sshrl.u32 s1, $0x2  }
0xb9: {  	s3 =	sand.u32 $0x4000, s31;
	s1 =	sadd.s32 s1, s30  }
0xba: {  	s0 =	sor.u32 s3, s0;
	s1 =	sshll.u32 s1, $0x11  }
0xbb: {  	s0 =	sor.u32 s1, s0  }
0xbc: {  	s0 =	sadd.s32 $0x8F2B, s0  }
0xbd: {  	[sflag:s0] =	ssyncadd.remote.s32 $0x1  }
0xbe: {  	_ =	sfence.sel $0xFFFF  }
0xbf: {  	[dreg:$0x0] =	wrdreg $0xFFFFFFFF;
	(pc) =	sbr.abs _section_cstart, $3  }
0xc0: {  	[dreg:$0x1] =	wrdreg $0xFFFFFFFF  }
0xc1: {  	_ =	task.clear_ibuf [dreg:s7], $0x2FFFF;
	_ =	strace $0x9FFFFFFF  }
0xc2: {  	(tm) =	ssettm $0x7FFFFFFF  }
0xc3: {  	_ =	shalt  }
tec
execute0_lowered:
.L_overlay_start_1:
0x0: {  	(tag) =	ssettag $0x1  }
0x1: {  	s5 =	stileid.u32  }
0x2: {  	s0 =	srdreg.scid;
	s6 =	rddreg [dreg:$0x0]  }
0x3: {  	s2 =	rddreg [dreg:$0x1];
	s3 =	simm.s32 $0x0;
	s18 =	simm.s32 $0x18080  }
0x4: {  	s19 =	simm.s32 $0x1BF80;
	s20 =	simm.s32 $0x9D00;
	s21 =	simm.s32 $0x3  }
0x5: {  	s22 =	simm.s32 $0x1;
	s23 =	simm.s32 $0x4E80;
	s24 =	simm.s32 $0xC480  }
0x6: {  	s25 =	simm.s32 $0x2;
	s26 =	simm.s32 $0x80;
	s28 =	simm.s32 $0x400  }
0x7: {  	s29 =	simm.s32 $0x4;
	s30 =	simm.s32 $0x0;
	s1 =	sshll.u32 s5, $0x1  }
0x8: {  	s0 =	sand.u32 $0x1, s0;
	[smem:$0x7FF] =	sst s3;
	s5 =	sshrl.u32 s5, $0x2  }
0x9: {  	s1 =	sand.u32 $0x6, s1;
	_ =	strace $0x8000004A;
	s7 =	smul.u32 $0x4E400, s5  }
0xa: {  	s13 =	smul.u32 $0x13880, s5;
	s5 =	sadd.s32 $0x1F200, s6;
	s1 =	sor.u32 s0, s1  }
0xb: {  	s0 =	ssub.s32 $0x2, s0;
	s4 =	smul.u32 $0x9C40, s1;
	s1 =	sshll.u32 s1, $0x7  }
0xc: {  	s31 =	sshrl.u32 s0, $0x1;
	s8 =	sshrl.u32 s13, $0x3;
	s12 =	sadd.s32 $0x3E80, s13  }
0xd: {  	s13 =	sadd.s32 $0x5DC0, s13;
	s1 =	sor.u32 s7, s1;
	s0 =	ssub.s32 s0, s31  }
.Ltmp0:
0xe: {  	s9 =	sadd.s32 $0x3E8, s8;
	s7 =	sadd.s32 s2, s8;
	(pc) =	sbr.rel .LBB2_1-.Ltmp0, $4  }
0xf: {  	s4 =	sshrl.u32 s4, $0x3;
	s1 =	sshrl.u32 s1, $0x3;
	s15 =	smax.u32 s0, $0x1  }
0x10: {  	s11 =	sadd.s32 s4, s6;
	s4 =	sadd.s32 $0xB800, s6;
	s1 =	sadd.s32 s1, s6  }
0x11: {  	s6 =	sadd.s32 s5, s8;
	s8 =	sadd.s32 s5, s9;
	s9 =	sadd.s32 s2, s9  }
0x12: {  	v0 =	vimm.f32 $0.0e+00;
	s10 =	sadd.s32 $0x1A00, s11;
	s11 =	sadd.s32 $0x23C4, s11;
	s14 =	sadd.s32 $0x29000, s1  }
.LBB2_16:
0x13: {  	s30 =	sadd.s32 $0x1, s30  }
0x14: {  	p0 =	sne.s32 s30, s15  }
.Ltmp1:
0x15: {  	_ = 	snop;
	(pc) =	sbr.rel @!p0 .LBB2_17-.Ltmp1, $4  }
0x16: {  	[hbm4b:s14+s26] =	stream.strided.scatter [tilespmem:s24], [sflag:$0x4], $0x9C80, s28, s26, $0x38;
	[tilespmem:$0x1DF00] =	vst v63  }
0x17: {  	_ =	swait.ge [sflag:s29], $0x9C80  }
0x18: {  	[sflag:s29] =	ssyncset.done $0x0  }
0x19: {  	[sflag:s29] =	ssyncadd.s32 $0xFFFF6380  }
.LBB2_1:
0x1a: {  	s0 =	simm.s32 $0x16100  }
0x1b: {  	[tilespmem:s0], [sflag:$0x1] =	stream.linear.gather [hbm4b:s6+s3], $0x1F40, $0x38;
	[tilespmem:$0x1DF00] =	vst v63  }
0x1c: {  	s31 =	simm.s32 $0x1A000  }
0x1d: {  	[tilespmem:s31], [sflag:$0x1] =	stream.linear.gather [hbm4b:s7+s3], $0x1F40, $0x38;
	[tilespmem:$0x1DF00] =	vst v63  }
0x1e: {  	_ = 	snop  }
0x1f: {  	[tilespmem:s18], [sflag:$0x2] =	stream.linear.gather [hbm4b:s8+s3], $0x1F40, $0x38;
	[tilespmem:$0x1DF00] =	vst v63  }
0x20: {  	_ = 	snop  }
0x21: {  	[tilespmem:s19], [sflag:$0x2] =	stream.linear.gather [hbm4b:s9+s3], $0x1F40, $0x38;
	[tilespmem:$0x1DF00] =	vst v63  }
0x22: {  	_ = 	snop  }
0x23: {  	[tilespmem:s3], [sflag:$0x3] =	stream.linear.gather [hbm4b:s10+s3], $0x4E20, $0x38;
	[tilespmem:$0x1DF00] =	vst v63  }
0x24: {  	s0 =	simm.s32 $0xC4C0  }
0x25: {  	[tilespmem:s20], [sflag:$0x3] =	stream.linear.gather [hbm4b:s4+s3], $0x2780, $0x38;
	[tilespmem:$0x1DF00] =	vst v63  }
0x26: {  	[tilespmem:s0+$0xFFFFFFC0] =	vst v0  }
0x27: {  	[tilespmem:s0+$0x30] =	vst v0  }
0x28: {  	[tilespmem:s0+$0x20] =	vst v0  }
0x29: {  	[tilespmem:s0+$0x10] =	vst v0  }
0x2a: {  	[tilespmem:s0+$0x0] =	vst v0  }
0x2b: {  	[tilespmem:s0+$0xFFFFFFF0] =	vst v0  }
0x2c: {  	s1 =	simm.s32 $0x0;
	[tilespmem:s0+$0xFFFFFFE0] =	vst v0  }
.LBB2_2:
0x2d: {  	s1 =	sadd.s32 $0x8, s1;
	[tilespmem:s0+$0xFFFFFFD0] =	vst v0;
	s0 =	sadd.s32 $0x80, s0  }
0x2e: {  	[tilespmem:s0+$0xFFFFFFC0] =	vst v0;
	p0 =	slt.u32 s1, $0x9B8  }
0x2f: {  	[tilespmem:s0+$0x30] =	vst v0  }
.Ltmp2:
0x30: {  	[tilespmem:s0+$0x20] =	vst v0;
	(pc) =	sbr.rel @p0 .LBB2_2-.Ltmp2, $4  }
0x31: {  	[tilespmem:s0+$0x10] =	vst v0  }
0x32: {  	[tilespmem:s0+$0x0] =	vst v0  }
0x33: {  	[tilespmem:s0+$0xFFFFFFF0] =	vst v0  }
0x34: {  	[tilespmem:s0+$0xFFFFFFE0] =	vst v0  }
0x35: {  	[tilespmem:s0+$0xFFFFFFD0] =	vst v0;
	s0 =	simm.s32 $0x0  }
.LBB2_4:
0x36: {  	p0 =	sne.s32 s0, $0xC0  }
.Ltmp3:
0x37: {  	_ = 	snop;
	(pc) =	sbr.rel @p0 .LBB2_4-.Ltmp3, $3  }
0x38: {  	_ =	sdelay $0x1  }
0x39: {  	s1 =	sshra.s32 s0, $0x2  }
0x3a: {  	s0 =	sadd.s32 $0x40, s0;
	[tilespmem:s1+$0x16080] =	vst v0  }
0x3b: {  	_ =	swait.ge [sflag:s21], $0x4E20  }
0x3c: {  	[sflag:s21] =	ssyncset.done $0x0  }
0x3d: {  	[sflag:s21] =	ssyncadd.s32 $0xFFFFB1E0  }
0x3e: {  	_ =	swait.ge [sflag:s21], $0x2780  }
0x3f: {  	[sflag:s21] =	ssyncset.done $0x0  }
0x40: {  	s16 =	simm.s32 $0x2740;
	[sflag:s21] =	ssyncadd.s32 $0xFFFFD880  }
0x41: {  	v6 =	vld [tilespmem:s16+$0xFFFFD8F0]  }
0x42: {  	v7 =	vld [tilespmem:s16+$0x0]  }
0x43: {  	v3 =	vld [tilespmem:s16+$0xFFFFFFD0]  }
0x44: {  	v1 =	vld [tilespmem:s16+$0xFFFFD8D0]  }
0x45: {  	v4 =	vld [tilespmem:s16+$0xFFFFFFE0]  }
0x46: {  	v2 =	vld [tilespmem:s16+$0xFFFFD8E0]  }
0x47: {  	s0 =	simm.s32 $0x4EA0;
	v5 =	vld [tilespmem:s16+$0xFFFFFFF0];
	v7 =	vpack.i.f32.bf16 v7, v6  }
0x48: {  	s1 =	simm.s32 $0x0;
	v6 =	vld [tilespmem:s16+$0xFFFFD8C0];
	s16 =	simm.s32 $0x2780;
	[tilespmem:s0+$0x10] =	vst v7  }
.LBB2_6:
0x49: {  	v7 =	vld [tilespmem:s16+$0xFFFFD8F0]  }
0x4a: {  	s1 =	sadd.s32 $0x4, s1;
	v8 =	vld [tilespmem:s16+$0x0];
	v1 =	vpack.i.f32.bf16 v4, v1  }
0x4b: {  	p0 =	slt.u32 s1, $0x26C;
	v9 =	vld [tilespmem:s16+$0xFFFFFFD0];
	[tilespmem:s0+$0xFFFFFFF0] =	vst v1  }
.Ltmp4:
0x4c: {  	v1 =	vld [tilespmem:s16+$0xFFFFD8D0];
	v2 =	vpack.i.f32.bf16 v5, v2;
	(pc) =	sbr.rel @p0 .LBB2_6-.Ltmp4, $4  }
0x4d: {  	v4 =	vld [tilespmem:s16+$0xFFFFFFE0];
	v3 =	vpack.i.f32.bf16 v3, v6;
	[tilespmem:s0+$0x0] =	vst v2  }
0x4e: {  	v2 =	vld [tilespmem:s16+$0xFFFFD8E0];
	[tilespmem:s0+$0xFFFFFFE0] =	vst v3  }
0x4f: {  	s0 =	sadd.s32 $0x40, s0;
	v5 =	vld [tilespmem:s16+$0xFFFFFFF0];
	v7 =	vpack.i.f32.bf16 v8, v7  }
0x50: {  	v6 =	vld [tilespmem:s16+$0xFFFFD8C0];
	[tilespmem:s0+$0x10] =	vst v7;
	s16 =	sadd.s32 $0x40, s16;
	v3 =	vmov v9  }
0x51: {  	_ =	sdelay $0x1  }
0x52: {  	v1 =	vpack.i.f32.bf16 v4, v1  }
0x53: {  	[tilespmem:s0+$0xFFFFFFF0] =	vst v1;
	v1 =	vpack.i.f32.bf16 v5, v2  }
0x54: {  	v2 =	vpack.i.f32.bf16 v3, v6;
	[tilespmem:s0+$0x0] =	vst v1  }
0x55: {  	[tilespmem:s0+$0xFFFFFFE0] =	vst v2  }
0x56: {  	v1 =	vld [tilespmem:$0x2700]  }
0x57: {  	v2 =	vld [tilespmem:$0x4E10];
	_ =	sdelay $0x4  }
0x58: {  	v1 =	vpack.i.f32.bf16 v2, v1  }
0x59: {  	[tilespmem:$0x7580] =	vst v1  }
0x5a: {  	[tilespmem:s3], [sflag:$0x3] =	stream.linear.gather [hbm4b:s11+s3], $0x4E20, $0x38;
	[tilespmem:$0x1DF00] =	vst v63  }
0x5b: {  	_ =	swait.ge [sflag:s21], $0x4E20  }
0x5c: {  	[sflag:s21] =	ssyncset.done $0x0  }
0x5d: {  	s16 =	simm.s32 $0x2740;
	[sflag:s21] =	ssyncadd.s32 $0xFFFFB1E0  }
0x5e: {  	v6 =	vld [tilespmem:s16+$0xFFFFD8F0]  }
0x5f: {  	v7 =	vld [tilespmem:s16+$0x0]  }
0x60: {  	v3 =	vld [tilespmem:s16+$0xFFFFFFD0]  }
0x61: {  	v1 =	vld [tilespmem:s16+$0xFFFFD8D0]  }
0x62: {  	v4 =	vld [tilespmem:s16+$0xFFFFFFE0]  }
0x63: {  	v2 =	vld [tilespmem:s16+$0xFFFFD8E0]  }
0x64: {  	s0 =	simm.s32 $0x75C0;
	v5 =	vld [tilespmem:s16+$0xFFFFFFF0];
	v7 =	vpack.i.f32.bf16 v7, v6  }
0x65: {  	s1 =	simm.s32 $0x0;
	v6 =	vld [tilespmem:s16+$0xFFFFD8C0];
	s16 =	simm.s32 $0x2780;
	[tilespmem:s0+$0x0] =	vst v7  }
.LBB2_8:
0x66: {  	v7 =	vld [tilespmem:s16+$0xFFFFD8F0]  }
0x67: {  	s1 =	sadd.s32 $0x4, s1;
	v8 =	vld [tilespmem:s16+$0x0];
	v1 =	vpack.i.f32.bf16 v4, v1  }
0x68: {  	p0 =	slt.u32 s1, $0x26C;
	v9 =	vld [tilespmem:s16+$0xFFFFFFD0];
	[tilespmem:s0+$0xFFFFFFE0] =	vst v1  }
.Ltmp5:
0x69: {  	v1 =	vld [tilespmem:s16+$0xFFFFD8D0];
	v2 =	vpack.i.f32.bf16 v5, v2;
	(pc) =	sbr.rel @p0 .LBB2_8-.Ltmp5, $4  }
0x6a: {  	v4 =	vld [tilespmem:s16+$0xFFFFFFE0];
	v3 =	vpack.i.f32.bf16 v3, v6;
	[tilespmem:s0+$0xFFFFFFF0] =	vst v2  }
0x6b: {  	v2 =	vld [tilespmem:s16+$0xFFFFD8E0];
	[tilespmem:s0+$0xFFFFFFD0] =	vst v3  }
0x6c: {  	s0 =	sadd.s32 $0x40, s0;
	v5 =	vld [tilespmem:s16+$0xFFFFFFF0];
	v7 =	vpack.i.f32.bf16 v8, v7  }
0x6d: {  	v6 =	vld [tilespmem:s16+$0xFFFFD8C0];
	[tilespmem:s0+$0x0] =	vst v7;
	s16 =	sadd.s32 $0x40, s16;
	v3 =	vmov v9  }
0x6e: {  	_ =	sdelay $0x1  }
0x6f: {  	v1 =	vpack.i.f32.bf16 v4, v1  }
0x70: {  	[tilespmem:s0+$0xFFFFFFE0] =	vst v1;
	v1 =	vpack.i.f32.bf16 v5, v2  }
0x71: {  	v2 =	vpack.i.f32.bf16 v3, v6;
	[tilespmem:s0+$0xFFFFFFF0] =	vst v1  }
0x72: {  	[tilespmem:s0+$0xFFFFFFD0] =	vst v2  }
0x73: {  	v1 =	vld [tilespmem:$0x2700]  }
0x74: {  	v2 =	vld [tilespmem:$0x4E10];
	_ =	sdelay $0x4  }
0x75: {  	v1 =	vpack.i.f32.bf16 v2, v1  }
0x76: {  	s31 =	simm.s32 $0x0;
	[tilespmem:$0x9C90] =	vst v1  }
.LBB2_10:
0x77: {  	_ =	swait.ge [sflag:s22], $0x1F40  }
0x78: {  	[sflag:s22] =	ssyncset.done $0x0  }
0x79: {  	[sflag:s22] =	ssyncadd.s32 $0xFFFFE0C0  }
0x7a: {  	_ =	swait.ge [sflag:s22], $0x1F40  }
0x7b: {  	[sflag:s22] =	ssyncset.done $0x0  }
0x7c: {  	s0 =	simm.s32 $0x16120;
	[sflag:s22] =	ssyncadd.s32 $0xFFFFE0C0  }
0x7d: {  	v1 =	vld [tilespmem:s0+$0x10];
	_ =	sdelay $0x3  }
0x7e: {  	v2 =	vld [tilespmem:s0+$0xFFFFFFF0]  }
0x7f: {  	s1 =	simm.s32 $0x1A020;
	v3 =	vld [tilespmem:s0+$0xFFFFFFE0];
	v4 =	vand.u32 $0x3FFF, v1  }
0x80: {  	v7 =	vld [tilespmem:s1+$0x10];
	v1 =	vshrl.u32 v1, $0xE  }
0x81: {  	v10 =	vld [tilespmem:s0+$0x0]  }
0x82: {  	v13 =	vld [tilespmem:s1+$0xFFFFFFE0]  }
0x83: {  	v14 =	vld [tilespmem:s1+$0xFFFFFFF0]  }
0x84: {  	v5 =	vand.u32 $0x3FFF, v2;
	v8 =	vld.idx.msk [tilespmem:v4+s20+$0x0], $0xffff  }
0x85: {  	v6 =	vand.u32 $0x3FFF, v3;
	v9 =	vld.idx.msk [tilespmem:v1+s23+$0x0], $0xffff  }
0x86: {  	v19 =	vld [tilespmem:s1+$0x0];
	s1 =	simm.s32 $0x1A060;
	v3 =	vshrl.u32 v3, $0xE  }
0x87: {  	v24 =	vld [tilespmem:s1+$0xFFFFFFE0];
	v2 =	vshrl.u32 v2, $0xE  }
0x88: {  	v25 =	vld [tilespmem:s1+$0xFFFFFFF0]  }
0x89: {  	v11 =	vld.idx.msk [tilespmem:v5+s20+$0x0], $0xffff;
	v7 =	vmul.f32 v8, v7;
	v8 =	vadd.s32 $0x2710, v4  }
0x8a: {  	v12 =	vld.idx.msk [tilespmem:v6+s20+$0x0], $0xffff;
	v1 =	vadd.s32 $0x2710, v1;
	v15 =	vunpack.i.l.bf16.f32 v9  }
0x8b: {  	v17 =	vld.idx.msk [tilespmem:v3+s23+$0x0], $0xffff;
	v9 =	vunpack.i.u.bf16.f32 v9;
	v15 =	vmul.f32 v15, v7  }
0x8c: {  	v16 =	vand.u32 $0x3FFF, v10;
	v10 =	vshrl.u32 v10, $0xE;
	v18 =	vld.idx.msk [tilespmem:v2+s23+$0x0], $0xffff;
	v9 =	vmul.f32 v9, v7  }
0x8d: {  	[tilespmem:v4+s24+$0x0] =	vst.idx.add.f32.msk $0xffff, v15  }
0x8e: {  	[tilespmem:v8+s24+$0x0] =	vst.idx.add.f32.msk $0xffff, v9  }
0x8f: {  	v8 =	vadd.s32 $0x2710, v6;
	v9 =	vmul.f32 v12, v13;
	v1 =	vld.idx.msk [tilespmem:v1+s23+$0x0], $0xffff  }
0x90: {  	v29 =	vld [tilespmem:s1+$0x0];
	v15 =	vunpack.i.l.bf16.f32 v17  }
0x91: {  	v14 =	vmul.f32 v11, v14;
	v11 =	vunpack.i.u.bf16.f32 v17;
	v17 =	vld.idx.msk [tilespmem:v10+s23+$0x0], $0xffff;
	v15 =	vmul.f32 v15, v9  }
0x92: {  	v21 =	vadd.s32 $0x4E20, v4;
	v20 =	vunpack.i.l.bf16.f32 v18;
	v13 =	vld.idx.msk [tilespmem:v16+s20+$0x0], $0xffff;
	v11 =	vmul.f32 v11, v9  }
0x93: {  	v20 =	vmul.f32 v20, v14;
	v4 =	vadd.s32 $0x7530, v4;
	[tilespmem:v6+s24+$0x0] =	vst.idx.add.f32.msk $0xffff, v15  }
0x94: {  	[tilespmem:v8+s24+$0x0] =	vst.idx.add.f32.msk $0xffff, v11;
	v8 =	vunpack.i.l.bf16.f32 v1  }
0x95: {  	s17 =	simm.s32 $0x16160;
	[tilespmem:v5+s24+$0x0] =	vst.idx.add.f32.msk $0xffff, v20;
	v12 =	vadd.s32 $0x2710, v5;
	v1 =	vunpack.i.u.bf16.f32 v1;
	v8 =	vmul.f32 v8, v7  }
0x96: {  	v18 =	vunpack.i.u.bf16.f32 v18;
	v11 =	vld [tilespmem:s17+$0xFFFFFFE0];
	v1 =	vmul.f32 v1, v7  }
0x97: {  	v15 =	vmul.f32 v18, v14;
	v18 =	vmul.f32 v13, v19;
	[tilespmem:v21+s24+$0x0] =	vst.idx.add.f32.msk $0xffff, v8  }
0x98: {  	v3 =	vadd.s32 $0x2710, v3;
	v7 =	vunpack.i.l.bf16.f32 v17;
	[tilespmem:v4+s24+$0x0] =	vst.idx.add.f32.msk $0xffff, v1  }
0x99: {  	v7 =	vmul.f32 v7, v18;
	v1 =	vadd.s32 $0x2710, v16;
	v4 =	vld [tilespmem:s17+$0x10]  }
0x9a: {  	v2 =	vadd.s32 $0x2710, v2;
	[tilespmem:v12+s24+$0x0] =	vst.idx.add.f32.msk $0xffff, v15  }
0x9b: {  	[tilespmem:v16+s24+$0x0] =	vst.idx.add.f32.msk $0xffff, v7;
	v7 =	vunpack.i.u.bf16.f32 v17  }
0x9c: {  	v12 =	vld [tilespmem:s17+$0x0];
	v7 =	vmul.f32 v7, v18  }
0x9d: {  	v13 =	vld.idx.msk [tilespmem:v3+s23+$0x0], $0xffff;
	v20 =	vand.u32 $0x3FFF, v11  }
0x9e: {  	[tilespmem:v1+s24+$0x0] =	vst.idx.add.f32.msk $0xffff, v7;
	v7 =	vand.u32 $0x3FFF, v4  }
0x9f: {  	v15 =	vld.idx.msk [tilespmem:v2+s23+$0x0], $0xffff;
	v1 =	vshrl.u32 v4, $0xE  }
0xa0: {  	v8 =	vld [tilespmem:s17+$0xFFFFFFF0];
	v11 =	vshrl.u32 v11, $0xE  }
0xa1: {  	v10 =	vadd.s32 $0x2710, v10;
	v2 =	vld [tilespmem:s1+$0x10]  }
0xa2: {  	v53 =	vand.u32 $0x3FFF, v12;
	v22 =	vld.idx.msk [tilespmem:v20+s20+$0x0], $0xffff  }
0xa3: {  	v12 =	vshrl.u32 v12, $0xE;
	v3 =	vld.idx.msk [tilespmem:v7+s20+$0x0], $0xffff  }
0xa4: {  	v32 =	vadd.s32 $0x4E20, v5;
	v4 =	vld.idx.msk [tilespmem:v1+s23+$0x0], $0xffff  }
0xa5: {  	v19 =	vand.u32 $0x3FFF, v8;
	v31 =	vld.idx.msk [tilespmem:v11+s23+$0x0], $0xffff  }
0xa6: {  	v35 =	vunpack.i.l.bf16.f32 v15;
	v8 =	vshrl.u32 v8, $0xE;
	v17 =	vld.idx.msk [tilespmem:v10+s23+$0x0], $0xffff  }
0xa7: {  	v57 =	vadd.s32 $0x2710, v11;
	v11 =	vmul.f32 v35, v14;
	v23 =	vld.idx.msk [tilespmem:v53+s20+$0x0], $0xffff  }
0xa8: {  	v27 =	vadd.s32 $0x2710, v7;
	v56 =	vld.idx.msk [tilespmem:v12+s23+$0x0], $0xffff;
	v26 =	vmul.f32 v3, v2  }
0xa9: {  	v28 =	vadd.s32 $0x4E20, v6;
	v30 =	vadd.s32 $0x2710, v1;
	[tilespmem:v32+s24+$0x0] =	vst.idx.add.f32.msk $0xffff, v11;
	v2 =	vunpack.i.l.bf16.f32 v4  }
0xaa: {  	v6 =	vadd.s32 $0x7530, v6;
	v10 =	vld.idx.msk [tilespmem:v19+s20+$0x0], $0xffff;
	v1 =	vunpack.i.u.bf16.f32 v4;
	v4 =	vmul.f32 v2, v26  }
0xab: {  	v33 =	vld.idx.msk [tilespmem:v8+s23+$0x0], $0xffff;
	v3 =	vadd.s32 $0x7530, v5;
	v5 =	vunpack.i.l.bf16.f32 v13;
	v34 =	vmul.f32 v1, v26  }
0xac: {  	v55 =	vmul.f32 v5, v9;
	v5 =	vmul.f32 v22, v24;
	[tilespmem:v7+s24+$0x0] =	vst.idx.add.f32.msk $0xffff, v4  }
0xad: {  	v54 =	vadd.s32 $0x2710, v20;
	v58 =	vunpack.i.l.bf16.f32 v31;
	v4 =	vunpack.i.u.bf16.f32 v13;
	[tilespmem:v27+s24+$0x0] =	vst.idx.add.f32.msk $0xffff, v34  }
0xae: {  	v59 =	vmul.f32 v58, v5;
	v9 =	vmul.f32 v4, v9;
	v30 =	vld.idx.msk [tilespmem:v30+s23+$0x0], $0xffff  }
0xaf: {  	[tilespmem:v28+s24+$0x0] =	vst.idx.add.f32.msk $0xffff, v55;
	v13 =	vadd.s32 $0x2710, v19;
	v4 =	vmul.f32 v10, v25;
	v10 =	vunpack.i.u.bf16.f32 v31  }
0xb0: {  	v60 =	vadd.s32 $0x4E20, v7;
	[tilespmem:v6+s24+$0x0] =	vst.idx.add.f32.msk $0xffff, v9;
	v6 =	vunpack.i.l.bf16.f32 v33;
	v9 =	vmul.f32 v10, v5  }
0xb1: {  	v11 =	vunpack.i.u.bf16.f32 v33;
	v2 =	vadd.s32 $0x4E20, v16;
	[tilespmem:v20+s24+$0x0] =	vst.idx.add.f32.msk $0xffff, v59;
	v6 =	vmul.f32 v6, v4  }
0xb2: {  	v1 =	vadd.s32 $0x7530, v16;
	v10 =	vadd.s32 $0x2710, v8;
	v8 =	vmul.f32 v11, v4;
	[tilespmem:v54+s24+$0x0] =	vst.idx.add.f32.msk $0xffff, v9  }
0xb3: {  	v7 =	vadd.s32 $0x7530, v7;
	v9 =	vmul.f32 v23, v29;
	[tilespmem:v19+s24+$0x0] =	vst.idx.add.f32.msk $0xffff, v6;
	v11 =	vunpack.i.l.bf16.f32 v30  }
0xb4: {  	v16 =	vadd.s32 $0x2710, v53;
	[tilespmem:v13+s24+$0x0] =	vst.idx.add.f32.msk $0xffff, v8;
	v8 =	vunpack.i.l.bf16.f32 v56;
	v61 =	vmul.f32 v11, v26  }
0xb5: {  	v62 =	vunpack.i.u.bf16.f32 v17;
	v6 =	vunpack.i.u.bf16.f32 v30;
	v8 =	vmul.f32 v8, v9  }
0xb6: {  	v13 =	vunpack.i.u.bf16.f32 v56;
	v11 =	vadd.s32 $0x2710, v12;
	v6 =	vmul.f32 v6, v26;
	[tilespmem:v60+s24+$0x0] =	vst.idx.add.f32.msk $0xffff, v61  }
0xb7: {  	v12 =	vunpack.i.u.bf16.f32 v15;
	v15 =	vunpack.i.l.bf16.f32 v17;
	v63 =	vmul.f32 v13, v9;
	[tilespmem:v53+s24+$0x0] =	vst.idx.add.f32.msk $0xffff, v8  }
0xb8: {  	v13 =	vadd.s32 $0x7530, v19;
	v17 =	vmul.f32 v12, v14;
	v15 =	vmul.f32 v15, v18;
	[tilespmem:v7+s24+$0x0] =	vst.idx.add.f32.msk $0xffff, v6  }
0xb9: {  	v14 =	vadd.s32 $0x4E20, v53;
	v12 =	vadd.s32 $0x7530, v53;
	v8 =	vadd.s32 $0x4E20, v19;
	[tilespmem:v16+s24+$0x0] =	vst.idx.add.f32.msk $0xffff, v63  }
0xba: {  	s16 =	simm.s32 $0x161A0;
	s0 =	simm.s32 $0x4;
	v7 =	vadd.s32 $0x4E20, v20;
	v6 =	vadd.s32 $0x7530, v20;
	v16 =	vmul.f32 v62, v18;
	v18 =	vld.idx.msk [tilespmem:v57+s23+$0x0], $0xffff  }
.LBB2_11:
0xbb: {  	v19 =	vld [tilespmem:s16+$0x10]  }
0xbc: {  	v20 =	vld [tilespmem:s16+$0xFFFFFFF0]  }
0xbd: {  	s0 =	sadd.s32 $0x4, s0;
	v21 =	vld [tilespmem:s16+$0x0]  }
0xbe: {  	p0 =	slt.u32 s0, $0x1F0;
	v22 =	vld [tilespmem:s16+$0xFFFFFFE0]  }
0xbf: {  	v23 =	vld.idx.msk [tilespmem:v10+s23+$0x0], $0xffff  }
0xc0: {  	v25 =	vunpack.i.u.bf16.f32 v18;
	v18 =	vunpack.i.l.bf16.f32 v18;
	v24 =	vand.u32 $0x3FFF, v19;
	v26 =	vld.idx.msk [tilespmem:v11+s23+$0x0], $0xffff  }
0xc1: {  	v19 =	vshrl.u32 v19, $0xE;
	v27 =	vand.u32 $0x3FFF, v20;
	v20 =	vshrl.u32 v20, $0xE;
	[tilespmem:v3+s24+$0x0] =	vst.idx.add.f32.msk $0xffff, v17;
	v3 =	vmovc v13  }
0xc2: {  	v28 =	vadd.s32 $0x2710, v27;
	v29 =	vand.u32 $0x3FFF, v21;
	v21 =	vshrl.u32 v21, $0xE;
	[tilespmem:v2+s24+$0x0] =	vst.idx.add.f32.msk $0xffff, v15;
	v2 =	vmovc v14  }
0xc3: {  	s1 =	sadd.s32 $0x40, s1;
	v30 =	vand.u32 $0x3FFF, v22;
	v22 =	vshrl.u32 v22, $0xE;
	v31 =	vadd.s32 $0x2710, v29;
	[tilespmem:v1+s24+$0x0] =	vst.idx.add.f32.msk $0xffff, v16;
	v1 =	vmovc v12  }
0xc4: {  	v10 =	vadd.s32 $0x2710, v20;
	v32 =	vadd.s32 $0x2710, v30;
	v33 =	vadd.s32 $0x2710, v22;
	v34 =	vld [tilespmem:s1+$0x10]  }
0xc5: {  	v11 =	vadd.s32 $0x2710, v21;
	v12 =	vunpack.i.u.bf16.f32 v23;
	v13 =	vunpack.i.l.bf16.f32 v23;
	v35 =	vld.idx.msk [tilespmem:v24+s20+$0x0], $0xffff  }
0xc6: {  	v18 =	vmul.f32 v18, v5;
	v14 =	vunpack.i.u.bf16.f32 v26;
	v15 =	vunpack.i.l.bf16.f32 v26;
	v23 =	vld.idx.msk [tilespmem:v19+s23+$0x0], $0xffff  }
0xc7: {  	v25 =	vmul.f32 v25, v5;
	v26 =	vadd.s32 $0x4E20, v30;
	v37 =	vmul.f32 v13, v4;
	v36 =	vld.idx.msk [tilespmem:v27+s20+$0x0], $0xffff  }
0xc8: {  	v38 =	vadd.s32 $0x7530, v30;
	v17 =	vmul.f32 v12, v4;
	v15 =	vmul.f32 v15, v9;
	v5 =	vld.idx.msk [tilespmem:v30+s20+$0x0], $0xffff  }
0xc9: {  	v39 =	vadd.s32 $0x4E20, v27;
	v13 =	vadd.s32 $0x7530, v27;
	v16 =	vmul.f32 v14, v9;
	v40 =	vld.idx.msk [tilespmem:v29+s20+$0x0], $0xffff  }
0xca: {  	v12 =	vadd.s32 $0x7530, v29;
	v14 =	vadd.s32 $0x4E20, v29;
	v4 =	vld [tilespmem:s1+$0xFFFFFFE0]  }
0xcb: {  	v34 =	vmul.f32 v35, v34;
	v35 =	vadd.s32 $0x2710, v24;
	v9 =	vld [tilespmem:s1+$0xFFFFFFF0]  }
0xcc: {  	v19 =	vadd.s32 $0x2710, v19;
	v42 =	vunpack.i.l.bf16.f32 v23;
	v41 =	vld [tilespmem:s1+$0x0]  }
0xcd: {  	v23 =	vunpack.i.u.bf16.f32 v23;
	v42 =	vmul.f32 v42, v34;
	v22 =	vld.idx.msk [tilespmem:v22+s23+$0x0], $0xffff  }
0xce: {  	v23 =	vmul.f32 v23, v34;
	v20 =	vld.idx.msk [tilespmem:v20+s23+$0x0], $0xffff  }
0xcf: {  	v5 =	vmul.f32 v5, v4;
	[tilespmem:v24+s24+$0x0] =	vst.idx.add.f32.msk $0xffff, v42  }
0xd0: {  	v4 =	vmul.f32 v36, v9;
	[tilespmem:v35+s24+$0x0] =	vst.idx.add.f32.msk $0xffff, v23  }
0xd1: {  	v9 =	vmul.f32 v40, v41;
	v19 =	vld.idx.msk [tilespmem:v19+s23+$0x0], $0xffff  }
0xd2: {  	v21 =	vld.idx.msk [tilespmem:v21+s23+$0x0], $0xffff  }
0xd3: {  	v23 =	vunpack.i.u.bf16.f32 v22;
	v22 =	vunpack.i.l.bf16.f32 v22;
	[tilespmem:v7+s24+$0x0] =	vst.idx.add.f32.msk $0xffff, v18;
	v7 =	vmov v26  }
0xd4: {  	v18 =	vmul.f32 v22, v5;
	v22 =	vunpack.i.u.bf16.f32 v20;
	v20 =	vunpack.i.l.bf16.f32 v20;
	[tilespmem:v6+s24+$0x0] =	vst.idx.add.f32.msk $0xffff, v25;
	v6 =	vmovc v38  }
0xd5: {  	v23 =	vmul.f32 v23, v5;
	v20 =	vmul.f32 v20, v4;
	v25 =	vadd.s32 $0x4E20, v24;
	[tilespmem:v8+s24+$0x0] =	vst.idx.add.f32.msk $0xffff, v37  }
0xd6: {  	v8 =	vmov v39;
	[tilespmem:v30+s24+$0x0] =	vst.idx.add.f32.msk $0xffff, v18;
	v18 =	vmul.f32 v22, v4;
	v22 =	vadd.s32 $0x7530, v24  }
0xd7: {  	[tilespmem:v32+s24+$0x0] =	vst.idx.add.f32.msk $0xffff, v23;
	v23 =	vunpack.i.l.bf16.f32 v19  }
0xd8: {  	v19 =	vunpack.i.u.bf16.f32 v19;
	[tilespmem:v27+s24+$0x0] =	vst.idx.add.f32.msk $0xffff, v20;
	v20 =	vunpack.i.u.bf16.f32 v21;
	v23 =	vmul.f32 v23, v34  }
0xd9: {  	v19 =	vmul.f32 v19, v34;
	[tilespmem:v28+s24+$0x0] =	vst.idx.add.f32.msk $0xffff, v18;
	v18 =	vunpack.i.l.bf16.f32 v21;
	v20 =	vmul.f32 v20, v9  }
.Ltmp6:
0xda: {  	v18 =	vmul.f32 v18, v9;
	[tilespmem:v25+s24+$0x0] =	vst.idx.add.f32.msk $0xffff, v23;
	(pc) =	sbr.rel @p0 .LBB2_11-.Ltmp6, $4  }
0xdb: {  	[tilespmem:v22+s24+$0x0] =	vst.idx.add.f32.msk $0xffff, v19  }
0xdc: {  	[tilespmem:v29+s24+$0x0] =	vst.idx.add.f32.msk $0xffff, v18  }
0xdd: {  	[tilespmem:v31+s24+$0x0] =	vst.idx.add.f32.msk $0xffff, v20  }
0xde: {  	s16 =	sadd.s32 $0x40, s16;
	v18 =	vld.idx.msk [tilespmem:v33+s23+$0x0], $0xffff  }
0xdf: {  	_ =	sdelay $0x3  }
0xe0: {  	v10 =	vld.idx.msk [tilespmem:v10+s23+$0x0], $0xffff;
	_ =	sdelay $0x1  }
0xe1: {  	v11 =	vld.idx.msk [tilespmem:v11+s23+$0x0], $0xffff  }
0xe2: {  	[tilespmem:v3+s24+$0x0] =	vst.idx.add.f32.msk $0xffff, v17;
	v19 =	vunpack.i.l.bf16.f32 v18  }
0xe3: {  	[tilespmem:v2+s24+$0x0] =	vst.idx.add.f32.msk $0xffff, v15;
	v3 =	vunpack.i.u.bf16.f32 v18;
	v2 =	vmul.f32 v19, v5  }
0xe4: {  	[tilespmem:v1+s24+$0x0] =	vst.idx.add.f32.msk $0xffff, v16;
	v1 =	vunpack.i.l.bf16.f32 v10;
	v3 =	vmul.f32 v3, v5  }
0xe5: {  	p0 =	seq.s32 s31, $0x4;
	v5 =	vunpack.i.u.bf16.f32 v10;
	v1 =	vmul.f32 v1, v4;
	[tilespmem:v7+s24+$0x0] =	vst.idx.add.f32.msk $0xffff, v2  }
0xe6: {  	s0 =	smul.u32 @!p0 $0x3E80, s31;
	v4 =	vmul.f32 v5, v4;
	v2 =	vunpack.i.l.bf16.f32 v11;
	[tilespmem:v6+s24+$0x0] =	vst.idx.add.f32.msk $0xffff, v3  }
0xe7: {  	v3 =	vunpack.i.u.bf16.f32 v11;
	v2 =	vmul.f32 v2, v9;
	[tilespmem:v8+s24+$0x0] =	vst.idx.add.f32.msk $0xffff, v1  }
0xe8: {  	s0 =	sadd.s32 @!p0 s0, s12;
	v1 =	vmul.f32 v3, v9;
	[tilespmem:v13+s24+$0x0] =	vst.idx.add.f32.msk $0xffff, v4  }
0xe9: {  	s0 =	sshrl.u32 @!p0 s0, $0x3;
	[tilespmem:v14+s24+$0x0] =	vst.idx.add.f32.msk $0xffff, v2  }
0xea: {  	s16 =	simm.s32 @!p0 $0x0;
	s17 =	simm.s32 @!p0 $0x16100;
	s1 =	sadd.s32 @!p0 s5, s0;
	[tilespmem:v12+s24+$0x0] =	vst.idx.add.f32.msk $0xffff, v1  }
0xeb: {  	[tilespmem:s17], [sflag:$0x1] =	stream.linear.gather @!p0 [hbm4b:s1+s16], $0x1F40, $0x38;
	[tilespmem:$0x1DF00] =	vst v63  }
0xec: {  	s0 =	sadd.s32 @!p0 s2, s0;
	s1 =	simm.s32 @!p0 $0x1A000  }
0xed: {  	[tilespmem:s1], [sflag:$0x1] =	stream.linear.gather @!p0 [hbm4b:s0+s16], $0x1F40, $0x38;
	[tilespmem:$0x1DF00] =	vst v63  }
0xee: {  	_ =	swait.ge [sflag:s25], $0x1F40  }
0xef: {  	[sflag:s25] =	ssyncset.done $0x0  }
0xf0: {  	[sflag:s25] =	ssyncadd.s32 $0xFFFFE0C0  }
0xf1: {  	_ =	swait.ge [sflag:s25], $0x1F40  }
0xf2: {  	[sflag:s25] =	ssyncset.done $0x0  }
0xf3: {  	s1 =	simm.s32 $0x180A0;
	[sflag:s25] =	ssyncadd.s32 $0xFFFFE0C0  }
0xf4: {  	v1 =	vld [tilespmem:s1+$0x10];
	_ =	sdelay $0x3  }
0xf5: {  	v2 =	vld [tilespmem:s1+$0xFFFFFFF0]  }
0xf6: {  	s16 =	simm.s32 $0x1BFA0;
	v3 =	vld [tilespmem:s1+$0xFFFFFFE0];
	v4 =	vand.u32 $0x3FFF, v1  }
0xf7: {  	v7 =	vld [tilespmem:s16+$0x10];
	v1 =	vshrl.u32 v1, $0xE  }
0xf8: {  	v10 =	vld [tilespmem:s1+$0x0]  }
0xf9: {  	v13 =	vld [tilespmem:s16+$0xFFFFFFE0]  }
0xfa: {  	v14 =	vld [tilespmem:s16+$0xFFFFFFF0]  }
0xfb: {  	v5 =	vand.u32 $0x3FFF, v2;
	v8 =	vld.idx.msk [tilespmem:v4+s20+$0x0], $0xffff  }
0xfc: {  	v6 =	vand.u32 $0x3FFF, v3;
	v9 =	vld.idx.msk [tilespmem:v1+s23+$0x0], $0xffff  }
0xfd: {  	v19 =	vld [tilespmem:s16+$0x0];
	s1 =	simm.s32 $0x1BFE0;
	v3 =	vshrl.u32 v3, $0xE  }
0xfe: {  	v24 =	vld [tilespmem:s1+$0xFFFFFFE0];
	v2 =	vshrl.u32 v2, $0xE  }
0xff: {  	v25 =	vld [tilespmem:s1+$0xFFFFFFF0]  }
0x100: {  	v11 =	vld.idx.msk [tilespmem:v5+s20+$0x0], $0xffff;
	v7 =	vmul.f32 v8, v7;
	v8 =	vadd.s32 $0x2710, v4  }
0x101: {  	v12 =	vld.idx.msk [tilespmem:v6+s20+$0x0], $0xffff;
	v1 =	vadd.s32 $0x2710, v1;
	v15 =	vunpack.i.l.bf16.f32 v9  }
0x102: {  	v17 =	vld.idx.msk [tilespmem:v3+s23+$0x0], $0xffff;
	v9 =	vunpack.i.u.bf16.f32 v9;
	v15 =	vmul.f32 v15, v7  }
0x103: {  	v16 =	vand.u32 $0x3FFF, v10;
	v10 =	vshrl.u32 v10, $0xE;
	v18 =	vld.idx.msk [tilespmem:v2+s23+$0x0], $0xffff;
	v9 =	vmul.f32 v9, v7  }
0x104: {  	[tilespmem:v4+s24+$0x0] =	vst.idx.add.f32.msk $0xffff, v15  }
0x105: {  	[tilespmem:v8+s24+$0x0] =	vst.idx.add.f32.msk $0xffff, v9  }
0x106: {  	v8 =	vadd.s32 $0x2710, v6;
	v9 =	vmul.f32 v12, v13;
	v1 =	vld.idx.msk [tilespmem:v1+s23+$0x0], $0xffff  }
0x107: {  	v29 =	vld [tilespmem:s1+$0x0];
	v15 =	vunpack.i.l.bf16.f32 v17  }
0x108: {  	v14 =	vmul.f32 v11, v14;
	v11 =	vunpack.i.u.bf16.f32 v17;
	v17 =	vld.idx.msk [tilespmem:v10+s23+$0x0], $0xffff;
	v15 =	vmul.f32 v15, v9  }
0x109: {  	v21 =	vadd.s32 $0x4E20, v4;
	v20 =	vunpack.i.l.bf16.f32 v18;
	v13 =	vld.idx.msk [tilespmem:v16+s20+$0x0], $0xffff;
	v11 =	vmul.f32 v11, v9  }
0x10a: {  	v20 =	vmul.f32 v20, v14;
	v4 =	vadd.s32 $0x7530, v4;
	[tilespmem:v6+s24+$0x0] =	vst.idx.add.f32.msk $0xffff, v15  }
0x10b: {  	[tilespmem:v8+s24+$0x0] =	vst.idx.add.f32.msk $0xffff, v11;
	v8 =	vunpack.i.l.bf16.f32 v1  }
0x10c: {  	s17 =	simm.s32 $0x180E0;
	[tilespmem:v5+s24+$0x0] =	vst.idx.add.f32.msk $0xffff, v20;
	v12 =	vadd.s32 $0x2710, v5;
	v1 =	vunpack.i.u.bf16.f32 v1;
	v8 =	vmul.f32 v8, v7  }
0x10d: {  	v18 =	vunpack.i.u.bf16.f32 v18;
	v11 =	vld [tilespmem:s17+$0xFFFFFFE0];
	v1 =	vmul.f32 v1, v7  }
0x10e: {  	v15 =	vmul.f32 v18, v14;
	v18 =	vmul.f32 v13, v19;
	[tilespmem:v21+s24+$0x0] =	vst.idx.add.f32.msk $0xffff, v8  }
0x10f: {  	v3 =	vadd.s32 $0x2710, v3;
	v7 =	vunpack.i.l.bf16.f32 v17;
	[tilespmem:v4+s24+$0x0] =	vst.idx.add.f32.msk $0xffff, v1  }
0x110: {  	v7 =	vmul.f32 v7, v18;
	v1 =	vadd.s32 $0x2710, v16;
	v4 =	vld [tilespmem:s17+$0x10]  }
0x111: {  	v2 =	vadd.s32 $0x2710, v2;
	[tilespmem:v12+s24+$0x0] =	vst.idx.add.f32.msk $0xffff, v15  }
0x112: {  	[tilespmem:v16+s24+$0x0] =	vst.idx.add.f32.msk $0xffff, v7;
	v7 =	vunpack.i.u.bf16.f32 v17  }
0x113: {  	v12 =	vld [tilespmem:s17+$0x0];
	v7 =	vmul.f32 v7, v18  }
0x114: {  	v13 =	vld.idx.msk [tilespmem:v3+s23+$0x0], $0xffff;
	v20 =	vand.u32 $0x3FFF, v11  }
0x115: {  	[tilespmem:v1+s24+$0x0] =	vst.idx.add.f32.msk $0xffff, v7;
	v7 =	vand.u32 $0x3FFF, v4  }
0x116: {  	v15 =	vld.idx.msk [tilespmem:v2+s23+$0x0], $0xffff;
	v1 =	vshrl.u32 v4, $0xE  }
0x117: {  	v8 =	vld [tilespmem:s17+$0xFFFFFFF0];
	v11 =	vshrl.u32 v11, $0xE  }
0x118: {  	v10 =	vadd.s32 $0x2710, v10;
	v2 =	vld [tilespmem:s1+$0x10]  }
0x119: {  	v53 =	vand.u32 $0x3FFF, v12;
	v22 =	vld.idx.msk [tilespmem:v20+s20+$0x0], $0xffff  }
0x11a: {  	v12 =	vshrl.u32 v12, $0xE;
	v3 =	vld.idx.msk [tilespmem:v7+s20+$0x0], $0xffff  }
0x11b: {  	v32 =	vadd.s32 $0x4E20, v5;
	v4 =	vld.idx.msk [tilespmem:v1+s23+$0x0], $0xffff  }
0x11c: {  	v19 =	vand.u32 $0x3FFF, v8;
	v31 =	vld.idx.msk [tilespmem:v11+s23+$0x0], $0xffff  }
0x11d: {  	v35 =	vunpack.i.l.bf16.f32 v15;
	v8 =	vshrl.u32 v8, $0xE;
	v17 =	vld.idx.msk [tilespmem:v10+s23+$0x0], $0xffff  }
0x11e: {  	v57 =	vadd.s32 $0x2710, v11;
	v11 =	vmul.f32 v35, v14;
	v23 =	vld.idx.msk [tilespmem:v53+s20+$0x0], $0xffff  }
0x11f: {  	v27 =	vadd.s32 $0x2710, v7;
	v56 =	vld.idx.msk [tilespmem:v12+s23+$0x0], $0xffff;
	v26 =	vmul.f32 v3, v2  }
0x120: {  	v28 =	vadd.s32 $0x4E20, v6;
	v30 =	vadd.s32 $0x2710, v1;
	[tilespmem:v32+s24+$0x0] =	vst.idx.add.f32.msk $0xffff, v11;
	v2 =	vunpack.i.l.bf16.f32 v4  }
0x121: {  	v6 =	vadd.s32 $0x7530, v6;
	v10 =	vld.idx.msk [tilespmem:v19+s20+$0x0], $0xffff;
	v1 =	vunpack.i.u.bf16.f32 v4;
	v4 =	vmul.f32 v2, v26  }
0x122: {  	v33 =	vld.idx.msk [tilespmem:v8+s23+$0x0], $0xffff;
	v3 =	vadd.s32 $0x7530, v5;
	v5 =	vunpack.i.l.bf16.f32 v13;
	v34 =	vmul.f32 v1, v26  }
0x123: {  	v55 =	vmul.f32 v5, v9;
	v5 =	vmul.f32 v22, v24;
	[tilespmem:v7+s24+$0x0] =	vst.idx.add.f32.msk $0xffff, v4  }
0x124: {  	v54 =	vadd.s32 $0x2710, v20;
	v58 =	vunpack.i.l.bf16.f32 v31;
	v4 =	vunpack.i.u.bf16.f32 v13;
	[tilespmem:v27+s24+$0x0] =	vst.idx.add.f32.msk $0xffff, v34  }
0x125: {  	v59 =	vmul.f32 v58, v5;
	v9 =	vmul.f32 v4, v9;
	v30 =	vld.idx.msk [tilespmem:v30+s23+$0x0], $0xffff  }
0x126: {  	[tilespmem:v28+s24+$0x0] =	vst.idx.add.f32.msk $0xffff, v55;
	v13 =	vadd.s32 $0x2710, v19;
	v4 =	vmul.f32 v10, v25;
	v10 =	vunpack.i.u.bf16.f32 v31  }
0x127: {  	v60 =	vadd.s32 $0x4E20, v7;
	[tilespmem:v6+s24+$0x0] =	vst.idx.add.f32.msk $0xffff, v9;
	v6 =	vunpack.i.l.bf16.f32 v33;
	v9 =	vmul.f32 v10, v5  }
0x128: {  	v11 =	vunpack.i.u.bf16.f32 v33;
	v2 =	vadd.s32 $0x4E20, v16;
	[tilespmem:v20+s24+$0x0] =	vst.idx.add.f32.msk $0xffff, v59;
	v6 =	vmul.f32 v6, v4  }
0x129: {  	v1 =	vadd.s32 $0x7530, v16;
	v10 =	vadd.s32 $0x2710, v8;
	v8 =	vmul.f32 v11, v4;
	[tilespmem:v54+s24+$0x0] =	vst.idx.add.f32.msk $0xffff, v9  }
0x12a: {  	v7 =	vadd.s32 $0x7530, v7;
	v9 =	vmul.f32 v23, v29;
	[tilespmem:v19+s24+$0x0] =	vst.idx.add.f32.msk $0xffff, v6;
	v11 =	vunpack.i.l.bf16.f32 v30  }
0x12b: {  	v16 =	vadd.s32 $0x2710, v53;
	[tilespmem:v13+s24+$0x0] =	vst.idx.add.f32.msk $0xffff, v8;
	v8 =	vunpack.i.l.bf16.f32 v56;
	v61 =	vmul.f32 v11, v26  }
0x12c: {  	v62 =	vunpack.i.u.bf16.f32 v17;
	v6 =	vunpack.i.u.bf16.f32 v30;
	v8 =	vmul.f32 v8, v9  }
0x12d: {  	v13 =	vunpack.i.u.bf16.f32 v56;
	v11 =	vadd.s32 $0x2710, v12;
	v6 =	vmul.f32 v6, v26;
	[tilespmem:v60+s24+$0x0] =	vst.idx.add.f32.msk $0xffff, v61  }
0x12e: {  	v12 =	vunpack.i.u.bf16.f32 v15;
	v15 =	vunpack.i.l.bf16.f32 v17;
	v63 =	vmul.f32 v13, v9;
	[tilespmem:v53+s24+$0x0] =	vst.idx.add.f32.msk $0xffff, v8  }
0x12f: {  	v13 =	vadd.s32 $0x7530, v19;
	v17 =	vmul.f32 v12, v14;
	v15 =	vmul.f32 v15, v18;
	[tilespmem:v7+s24+$0x0] =	vst.idx.add.f32.msk $0xffff, v6  }
0x130: {  	v14 =	vadd.s32 $0x4E20, v53;
	v12 =	vadd.s32 $0x7530, v53;
	v8 =	vadd.s32 $0x4E20, v19;
	[tilespmem:v16+s24+$0x0] =	vst.idx.add.f32.msk $0xffff, v63  }
0x131: {  	s0 =	simm.s32 $0x4;
	s16 =	simm.s32 $0x18120;
	v7 =	vadd.s32 $0x4E20, v20;
	v6 =	vadd.s32 $0x7530, v20;
	v16 =	vmul.f32 v62, v18;
	v18 =	vld.idx.msk [tilespmem:v57+s23+$0x0], $0xffff  }
.LBB2_13:
0x132: {  	v19 =	vld [tilespmem:s16+$0x10]  }
0x133: {  	v20 =	vld [tilespmem:s16+$0xFFFFFFF0]  }
0x134: {  	s0 =	sadd.s32 $0x4, s0;
	v21 =	vld [tilespmem:s16+$0x0]  }
0x135: {  	p1 =	slt.u32 s0, $0x1F0;
	v22 =	vld [tilespmem:s16+$0xFFFFFFE0]  }
0x136: {  	v23 =	vld.idx.msk [tilespmem:v10+s23+$0x0], $0xffff  }
0x137: {  	v25 =	vunpack.i.u.bf16.f32 v18;
	v18 =	vunpack.i.l.bf16.f32 v18;
	v24 =	vand.u32 $0x3FFF, v19;
	v26 =	vld.idx.msk [tilespmem:v11+s23+$0x0], $0xffff  }
0x138: {  	v19 =	vshrl.u32 v19, $0xE;
	v27 =	vand.u32 $0x3FFF, v20;
	v20 =	vshrl.u32 v20, $0xE;
	[tilespmem:v3+s24+$0x0] =	vst.idx.add.f32.msk $0xffff, v17;
	v3 =	vmovc v13  }
0x139: {  	v28 =	vadd.s32 $0x2710, v27;
	v29 =	vand.u32 $0x3FFF, v21;
	v21 =	vshrl.u32 v21, $0xE;
	[tilespmem:v2+s24+$0x0] =	vst.idx.add.f32.msk $0xffff, v15;
	v2 =	vmovc v14  }
0x13a: {  	s1 =	sadd.s32 $0x40, s1;
	v30 =	vand.u32 $0x3FFF, v22;
	v22 =	vshrl.u32 v22, $0xE;
	v31 =	vadd.s32 $0x2710, v29;
	[tilespmem:v1+s24+$0x0] =	vst.idx.add.f32.msk $0xffff, v16;
	v1 =	vmovc v12  }
0x13b: {  	v10 =	vadd.s32 $0x2710, v20;
	v32 =	vadd.s32 $0x2710, v30;
	v33 =	vadd.s32 $0x2710, v22;
	v34 =	vld [tilespmem:s1+$0x10]  }
0x13c: {  	v11 =	vadd.s32 $0x2710, v21;
	v12 =	vunpack.i.u.bf16.f32 v23;
	v13 =	vunpack.i.l.bf16.f32 v23;
	v35 =	vld.idx.msk [tilespmem:v24+s20+$0x0], $0xffff  }
0x13d: {  	v18 =	vmul.f32 v18, v5;
	v14 =	vunpack.i.u.bf16.f32 v26;
	v15 =	vunpack.i.l.bf16.f32 v26;
	v23 =	vld.idx.msk [tilespmem:v19+s23+$0x0], $0xffff  }
0x13e: {  	v25 =	vmul.f32 v25, v5;
	v26 =	vadd.s32 $0x4E20, v30;
	v37 =	vmul.f32 v13, v4;
	v36 =	vld.idx.msk [tilespmem:v27+s20+$0x0], $0xffff  }
0x13f: {  	v38 =	vadd.s32 $0x7530, v30;
	v17 =	vmul.f32 v12, v4;
	v15 =	vmul.f32 v15, v9;
	v5 =	vld.idx.msk [tilespmem:v30+s20+$0x0], $0xffff  }
0x140: {  	v39 =	vadd.s32 $0x4E20, v27;
	v13 =	vadd.s32 $0x7530, v27;
	v16 =	vmul.f32 v14, v9;
	v40 =	vld.idx.msk [tilespmem:v29+s20+$0x0], $0xffff  }
0x141: {  	v12 =	vadd.s32 $0x7530, v29;
	v14 =	vadd.s32 $0x4E20, v29;
	v4 =	vld [tilespmem:s1+$0xFFFFFFE0]  }
0x142: {  	v34 =	vmul.f32 v35, v34;
	v35 =	vadd.s32 $0x2710, v24;
	v9 =	vld [tilespmem:s1+$0xFFFFFFF0]  }
0x143: {  	v19 =	vadd.s32 $0x2710, v19;
	v42 =	vunpack.i.l.bf16.f32 v23;
	v41 =	vld [tilespmem:s1+$0x0]  }
0x144: {  	v23 =	vunpack.i.u.bf16.f32 v23;
	v42 =	vmul.f32 v42, v34;
	v22 =	vld.idx.msk [tilespmem:v22+s23+$0x0], $0xffff  }
0x145: {  	v23 =	vmul.f32 v23, v34;
	v20 =	vld.idx.msk [tilespmem:v20+s23+$0x0], $0xffff  }
0x146: {  	v5 =	vmul.f32 v5, v4;
	[tilespmem:v24+s24+$0x0] =	vst.idx.add.f32.msk $0xffff, v42  }
0x147: {  	v4 =	vmul.f32 v36, v9;
	[tilespmem:v35+s24+$0x0] =	vst.idx.add.f32.msk $0xffff, v23  }
0x148: {  	v9 =	vmul.f32 v40, v41;
	v19 =	vld.idx.msk [tilespmem:v19+s23+$0x0], $0xffff  }
0x149: {  	v21 =	vld.idx.msk [tilespmem:v21+s23+$0x0], $0xffff  }
0x14a: {  	v23 =	vunpack.i.u.bf16.f32 v22;
	v22 =	vunpack.i.l.bf16.f32 v22;
	[tilespmem:v7+s24+$0x0] =	vst.idx.add.f32.msk $0xffff, v18;
	v7 =	vmov v26  }
0x14b: {  	v18 =	vmul.f32 v22, v5;
	v22 =	vunpack.i.u.bf16.f32 v20;
	v20 =	vunpack.i.l.bf16.f32 v20;
	[tilespmem:v6+s24+$0x0] =	vst.idx.add.f32.msk $0xffff, v25;
	v6 =	vmovc v38  }
0x14c: {  	v23 =	vmul.f32 v23, v5;
	v20 =	vmul.f32 v20, v4;
	v25 =	vadd.s32 $0x4E20, v24;
	[tilespmem:v8+s24+$0x0] =	vst.idx.add.f32.msk $0xffff, v37  }
0x14d: {  	v8 =	vmov v39;
	[tilespmem:v30+s24+$0x0] =	vst.idx.add.f32.msk $0xffff, v18;
	v18 =	vmul.f32 v22, v4;
	v22 =	vadd.s32 $0x7530, v24  }
0x14e: {  	[tilespmem:v32+s24+$0x0] =	vst.idx.add.f32.msk $0xffff, v23;
	v23 =	vunpack.i.l.bf16.f32 v19  }
0x14f: {  	v19 =	vunpack.i.u.bf16.f32 v19;
	[tilespmem:v27+s24+$0x0] =	vst.idx.add.f32.msk $0xffff, v20;
	v20 =	vunpack.i.u.bf16.f32 v21;
	v23 =	vmul.f32 v23, v34  }
0x150: {  	v19 =	vmul.f32 v19, v34;
	[tilespmem:v28+s24+$0x0] =	vst.idx.add.f32.msk $0xffff, v18;
	v18 =	vunpack.i.l.bf16.f32 v21;
	v20 =	vmul.f32 v20, v9  }
.Ltmp7:
0x151: {  	v18 =	vmul.f32 v18, v9;
	[tilespmem:v25+s24+$0x0] =	vst.idx.add.f32.msk $0xffff, v23;
	(pc) =	sbr.rel @p1 .LBB2_13-.Ltmp7, $4  }
0x152: {  	[tilespmem:v22+s24+$0x0] =	vst.idx.add.f32.msk $0xffff, v19  }
0x153: {  	[tilespmem:v29+s24+$0x0] =	vst.idx.add.f32.msk $0xffff, v18  }
0x154: {  	[tilespmem:v31+s24+$0x0] =	vst.idx.add.f32.msk $0xffff, v20  }
0x155: {  	s16 =	sadd.s32 $0x40, s16;
	v18 =	vld.idx.msk [tilespmem:v33+s23+$0x0], $0xffff  }
0x156: {  	_ =	sdelay $0x3  }
0x157: {  	v10 =	vld.idx.msk [tilespmem:v10+s23+$0x0], $0xffff;
	_ =	sdelay $0x1  }
0x158: {  	v11 =	vld.idx.msk [tilespmem:v11+s23+$0x0], $0xffff  }
0x159: {  	[tilespmem:v3+s24+$0x0] =	vst.idx.add.f32.msk $0xffff, v17;
	v19 =	vunpack.i.l.bf16.f32 v18  }
0x15a: {  	[tilespmem:v2+s24+$0x0] =	vst.idx.add.f32.msk $0xffff, v15;
	v3 =	vunpack.i.u.bf16.f32 v18;
	v2 =	vmul.f32 v19, v5  }
0x15b: {  	[tilespmem:v1+s24+$0x0] =	vst.idx.add.f32.msk $0xffff, v16;
	v1 =	vunpack.i.l.bf16.f32 v10;
	v3 =	vmul.f32 v3, v5  }
0x15c: {  	v62 =	vunpack.i.u.bf16.f32 v10;
	v1 =	vmul.f32 v1, v4;
	[tilespmem:v7+s24+$0x0] =	vst.idx.add.f32.msk $0xffff, v2  }
.Ltmp8:
0x15d: {  	v63 =	vmul.f32 v62, v4;
	v2 =	vunpack.i.l.bf16.f32 v11;
	[tilespmem:v6+s24+$0x0] =	vst.idx.add.f32.msk $0xffff, v3;
	(pc) =	sbr.rel @p0 .LBB2_16-.Ltmp8, $4  }
0x15e: {  	v3 =	vunpack.i.u.bf16.f32 v11;
	v2 =	vmul.f32 v2, v9;
	[tilespmem:v8+s24+$0x0] =	vst.idx.add.f32.msk $0xffff, v1  }
0x15f: {  	v1 =	vmul.f32 v3, v9;
	[tilespmem:v13+s24+$0x0] =	vst.idx.add.f32.msk $0xffff, v63  }
0x160: {  	[tilespmem:v14+s24+$0x0] =	vst.idx.add.f32.msk $0xffff, v2  }
0x161: {  	[tilespmem:v12+s24+$0x0] =	vst.idx.add.f32.msk $0xffff, v1  }
0x162: {  	s0 =	smul.u32 $0x3E80, s31;
	_ =	sdelay $0x1  }
0x163: {  	s0 =	sadd.s32 s0, s13  }
.Ltmp9:
0x164: {  	s0 =	sshrl.u32 s0, $0x3;
	(pc) =	sbr.rel .LBB2_10-.Ltmp9, $4  }
0x165: {  	s1 =	sadd.s32 s5, s0  }
0x166: {  	[tilespmem:s18], [sflag:$0x2] =	stream.linear.gather [hbm4b:s1+s3], $0x1F40, $0x38;
	[tilespmem:$0x1DF00] =	vst v63  }
0x167: {  	s31 =	sadd.s32 $0x1, s31;
	s0 =	sadd.s32 s2, s0  }
0x168: {  	[tilespmem:s19], [sflag:$0x2] =	stream.linear.gather [hbm4b:s0+s3], $0x1F40, $0x38;
	[tilespmem:$0x1DF00] =	vst v63  }
.LBB2_17:
0x169: {  	_ =	sfence.sel $0x180000  }
0x16a: {  	[bflag:$0x0] =	sbarrier.arrive $0xFFFF  }
0x16b: {  	_ =	strace $0x9000004A  }
0x16c: {  	s0 =	stileid.u32;
	[bflag:$0x2] =	sbarrier.arrive $0xFFFF  }
0x16d: {  	p0 =	sne.s32 s0, $0x0;
	s0 =	rddreg [dreg:$0x2]  }
0x16e: {  	s0 =	sadd.s32 @!p0 $0x100000, s0  }
0x16f: {  	[sflag:s0] =	ssyncadd.tile.s32 @!p0 $0x1;
	_ =	shalt  }
.Lfunc_end2:
_tile_overlayer_lowered:
.L_overlay_start_2:
0x170: {  	(tag) =	ssettag $0x2  }
0x171: {  	s0 =	rddreg [dreg:$0x0];
	s2 =	stileid.u32  }
0x172: {  	s1 =	rddreg [dreg:$0x1];
	p0 =	sne.s32 s2, $0x0  }
0x173: {  	s3 =	rddreg [dreg:$0x2];
	[bflag:$0x3] =	sbarrier.arrive $0xFFFF;
	s2 =	simm.s32 @!p0 $0x1C04  }
0x174: {  	[timem:s3], [sflag:s2] =	dma.local @!p0 [hbm:s0], s1  }
0x175: {  	s0 =	simm.s32 @!p0 $0x4  }
0x176: {  	_ =	swait.ge @!p0 [sflag:s0], s1  }
0x177: {  	s1 =	ssub.s32 @!p0 $0x0, s1;
	[sflag:s0] =	ssyncset.done @!p0 $0x0  }
0x178: {  	[sflag:s0] =	ssyncadd.s32 @!p0 s1  }
0x179: {  	[bflag:$0x3] =	sbarrier.arrive $0xFFFF  }
0x17a: {  	_ =	shalt  }

</sc_bundles>
